<compile_context>
chip_gen: v7x
topology: tpu7x:2x2x1
jax: 0.10.2.dev20260603
libtpu: 0.0.44.dev20260713+nightly
codegen_flags: <defaults>
</compile_context>

<pallas_src>
import functools
import math

import jax
import jax.numpy as jnp
from jax import lax
from jax.experimental import pallas as pl
from jax.experimental.pallas import tpu as pltpu
from jax.experimental.pallas import tpu_sc as plsc

_B = 1024
_K = 128
_N = 100000
_BETA = 0.05
_KNN = 6
_GRP = 64
_CHUNK = _GRP * 128
_NFULL = _N // _CHUNK
_TAIL = _N - _NFULL * _CHUNK
_TGRP = -(-_TAIL // 128)
_TPART = _TAIL - (_TGRP - 1) * 128
_NEG = -1e30
_LN2 = math.log(2.0)



def _sc_gather(em, idx):
    info = plsc.get_sparse_core_info()
    nw = info.num_cores * info.num_subcores
    bpw = _B // nw
    mesh = plsc.VectorSubcoreMesh(core_axis_name="c", subcore_axis_name="s")

    @functools.partial(
        pl.kernel, mesh=mesh,
        out_type=jax.ShapeDtypeStruct((_B, _K), jnp.float32),
        scratch_types=[
            pltpu.VMEM((bpw,), jnp.int32),
            pltpu.VMEM((bpw, _K), jnp.float32),
            pltpu.SemaphoreType.DMA,
        ],
    )
    def gather_k(em_hbm, idx_hbm, out_hbm, idx_v, rows_v, sem):
        wid = lax.axis_index("s") * info.num_cores + lax.axis_index("c")
        base = wid * bpw
        pltpu.sync_copy(idx_hbm.at[pl.ds(base, bpw)], idx_v)
        pltpu.async_copy(em_hbm.at[idx_v], rows_v, sem).wait()
        pltpu.sync_copy(rows_v, out_hbm.at[pl.ds(base, bpw)])

    return gather_k(em, idx)



def _cmp(a, b):
    return jnp.maximum(a, b), jnp.minimum(a, b)


def _merge22(a, b):
    o1, t1 = _cmp(a[0], b[0])
    t2, o4 = _cmp(a[1], b[1])
    o2, o3 = _cmp(t1, t2)
    return [o1, o2, o3, o4]


def _merge44(a, b):
    p = _merge22([a[0], a[2]], [b[0], b[2]])
    q = _merge22([a[1], a[3]], [b[1], b[3]])
    out = [p[0]]
    for i in range(3):
        hi, lo = _cmp(p[i + 1], q[i])
        out += [hi, lo]
    out.append(q[3])
    return out


def _merge_topk(a, b, k):
    out = []
    for i in range(1, k + 1):
        cands = []
        for j in range(0, i + 1):
            ai = i - j
            if ai > len(a) or j > len(b):
                continue
            if ai == 0:
                cands.append(b[j - 1])
            elif j == 0:
                cands.append(a[ai - 1])
            else:
                cands.append(jnp.minimum(a[ai - 1], b[j - 1]))
        m = cands[0]
        for c in cands[1:]:
            m = jnp.maximum(m, c)
        out.append(m)
    return out


def _top6_of_16(xs):
    pairs = [_cmp(xs[2 * i], xs[2 * i + 1]) for i in range(8)]
    quads = [_merge22(list(pairs[2 * i]), list(pairs[2 * i + 1]))
             for i in range(4)]
    o8a = _merge44(quads[0], quads[1])
    o8b = _merge44(quads[2], quads[3])
    return _merge_topk(o8a, o8b, _KNN)


def _top6_net(xs):
    if len(xs) <= 16:
        xs = xs + [None] * (16 - len(xs))
        xs = [x if x is not None else jnp.full_like(xs[0], _NEG) for x in xs]
        return _top6_of_16(xs)
    a = _top6_net(xs[:16])
    b = _top6_net(xs[16:])
    return _merge_topk(a, b, _KNN)


def _fused_body(f_ref, em_ref, labrow_ref, out_ref, top_ref, s_ref):
    j = pl.program_id(0)

    @pl.when(j == 0)
    def _init():
        top_ref[...] = jnp.full((_B, _KNN * 128), _NEG, jnp.float32)
        s_ref[...] = jnp.zeros((_B, 128), jnp.float32)

    f = f_ref[...]

    def dot_group(src_ref, g):
        return jax.lax.dot_general(
            f, src_ref[g * 128:(g + 1) * 128, :], (((1,), (1,)), ((), ())),
            preferred_element_type=jnp.float32)

    def process(make_x, ngroups):
        xs = [make_x(g) for g in range(ngroups)]
        new6 = _top6_net(xs)

        tops = [top_ref[:, i * 128:(i + 1) * 128] for i in range(_KNN)]
        m_old = tops[0]
        tops = _merge_topk(tops, new6, _KNN)
        for i in range(_KNN):
            top_ref[:, i * 128:(i + 1) * 128] = tops[i]
        m_new = tops[0]

        s = s_ref[...] * jnp.exp2(m_old - m_new)
        for g in range(ngroups):
            s = s + jnp.exp2(make_x(g) - m_new)
        s_ref[...] = s
        return m_new, s

    @pl.when(j < _NFULL)
    def _main():
        process(lambda g: dot_group(em_ref, g), _GRP)

    @pl.when(j == _NFULL)
    def _tail_and_finish():
        lane = jax.lax.broadcasted_iota(jnp.int32, (_B, 128), 1)

        def make_x(g):
            x = dot_group(em_ref, g)
            if g == _TGRP - 1:
                x = jnp.where(lane < _TPART, x, jnp.float32(_NEG))
            return x

        m_new, s = process(make_x, _TGRP)

        lab = jnp.sum(f * labrow_ref[...], axis=1, keepdims=True)
        mrow = jnp.max(m_new, axis=1, keepdims=True)
        srow = jnp.sum(s * jnp.exp2(m_new - mrow), axis=1, keepdims=True)
        lse = mrow + jnp.log2(srow)
        merged = top_ref[...]
        sum_top = jnp.zeros((_B, 1), jnp.float32)
        mk = jnp.zeros((_B, 1), jnp.float32)
        for _ in range(_KNN):
            mk = jnp.max(merged, axis=1, keepdims=True)
            sum_top = sum_top + mk
            merged = jnp.where(merged == mk, _NEG, merged)
        t = (lab >= mk).astype(jnp.float32)
        loss = (15.0 - 2.0 * t) * lse - 2.0 * sum_top - (3.0 - 2.0 * t) * lab
        out_ref[...] = jnp.sum(loss, keepdims=True)[:, :1] * (_LN2 / _B)


@jax.jit
def _run(tgt_feature, tgt_label, em):
    f_scaled = tgt_feature * (1.0 / (_BETA * _LN2))
    labrows = _sc_gather(em, tgt_label.astype(jnp.int32))
    out = pl.pallas_call(
        _fused_body,
        grid=(_NFULL + 1,),
        in_specs=[
            pl.BlockSpec((_B, _K), lambda j: (0, 0)),
            pl.BlockSpec((_CHUNK, _K), lambda j: (j, 0)),
            pl.BlockSpec((_B, _K), lambda j: (0, 0)),
        ],
        out_specs=pl.BlockSpec((1, 1), lambda j: (0, 0)),
        out_shape=jax.ShapeDtypeStruct((1, 1), jnp.float32),
        scratch_shapes=[
            pltpu.VMEM((_B, _KNN * 128), jnp.float32),
            pltpu.VMEM((_B, 128), jnp.float32),
        ],
        compiler_params=pltpu.CompilerParams(
            dimension_semantics=("arbitrary",)),
    )(f_scaled, em, labrows)
    return out[0, 0]


def kernel(tgt_feature, tgt_label, epoch, em):
    del epoch
    return _run(tgt_feature, tgt_label, em)

# --- scband reference (transcript-rebuilt; emitter-appended) ---
"""Pipeline reference for scband-inv-net-65541200937595 (READ-ONLY COPY).

The authoritative reference and input builder live on the scoring server;
editing this copy changes nothing except your own understanding.
"""

import jax, jax.numpy as jnp
import numpy as np

NUM_FEATURES = 128
NUM_CLASSES = 100000
BATCH = 1024
BETA = 0.05
KNN = 6


def setup_inputs(seed: int = 0) -> dict:
    key = jax.random.key(seed)
    k1, k2, k3 = jax.random.split(key, 3)
    tgt_feature = jax.random.normal(k1, (BATCH, NUM_FEATURES), dtype=jnp.float32)
    tgt_label = jax.random.randint(k2, (BATCH,), 0, NUM_CLASSES, dtype=jnp.int32)
    # exemplar memory parameter (torch init is zeros; use normalized random rows
    # so that top-k / softmax are non-degenerate, matching a warmed-up memory)
    em = jax.random.normal(k3, (NUM_CLASSES, NUM_FEATURES), dtype=jnp.float32)
    em = em / jnp.linalg.norm(em, axis=1, keepdims=True)
    return {"tgt_feature": tgt_feature, "tgt_label": tgt_label, "epoch": 5, "em": em}


def reference(tgt_feature, tgt_label, epoch, em):
    # ExemplarMemory.forward: similarity of batch against the memory bank
    # (the alpha*epoch memory update happens only in backward, so it does not
    # affect the forward output)
    sims = tgt_feature @ em.T                      # [B, num_classes]
    logits = sims / BETA
    # smooth_hot on detached logits
    _, topk = jax.lax.top_k(logits, KNN)           # [B, KNN]
    B = logits.shape[0]
    mask = jnp.zeros(logits.shape, dtype=jnp.float32)
    rows = jnp.arange(B)[:, None]
    mask = mask.at[rows, topk].set(2.0)            # scatter_(1, topk, 2)
    mask = mask.at[jnp.arange(B), tgt_label].set(3.0)  # scatter_(1, target, 3)
    # smooth_loss
    logp = jax.nn.log_softmax(logits, axis=1)
    loss = -(mask * logp)
    loss = loss.sum(axis=1)
    loss = loss.mean(axis=0)
    return loss

if __name__ == "__main__":
    import jax
    _d = setup_inputs()
    print(jax.jit(kernel)(*tuple(_d.values())))

</pallas_src>

<mosaic_0001>
#map = affine_map<(d0, d1) -> (0, 0)>
#map1 = affine_map<(d0, d1) -> (0)>
module attributes {stable_mosaic.version = 14 : i64} {
  func.func @gather_k(%arg0: i32, %arg1: i32, %arg2: memref<100000x128xf32, #tpu.memory_space<hbm>>, %arg3: memref<1024xi32, #tpu.memory_space<hbm>>, %arg4: memref<1024x128xf32, #tpu.memory_space<hbm>>, %arg5: memref<32xi32, #tpu.memory_space<vmem>>, %arg6: memref<32x128xf32, #tpu.memory_space<vmem>>, %arg7: memref<!tpu.dma_semaphore, #tpu.memory_space<semaphore_mem>>) attributes {dimension_semantics = [#tpu.dimension_semantics<core_parallel>, #tpu.dimension_semantics<subcore_parallel>], iteration_bounds = array<i64: 2, 16>, scalar_prefetch = 0 : i64, scratch_operands = 3 : i64, tpu.core_type = #tpu.core_type<sc_vector_subcore>, window_params = [{transform_indices = #map}, {transform_indices = #map1}, {transform_indices = #map}]} {
    %mul3A = arith.constant 2 : i32
    %mul3A_0 = arith.muli %arg1, %mul3A : i32
    %add3A = arith.addi %mul3A_0, %arg0 : i32
    %mul3A_1 = arith.constant 32 : i32
    %mul3A_2 = arith.muli %add3A, %mul3A_1 : i32
    "tpu.region"() ({
      %run_scoped3A = tpu.sem_alloc : memref<!tpu.dma_semaphore, #tpu.memory_space<semaphore_mem>>
      %dma_start3A_7 = tpu.memref_slice %arg3[%mul3A_2] : memref<1024xi32, #tpu.memory_space<hbm>> -> memref<32xi32, #tpu.memory_space<hbm>>
      %dma_start3A_8 = tpu.memref_slice %arg3[%mul3A_2] : memref<1024xi32, #tpu.memory_space<hbm>> -> memref<32xi32, #tpu.memory_space<hbm>>
      tpu.enqueue_dma source(%dma_start3A_8 : memref<32xi32, #tpu.memory_space<hbm>>) target(%arg5 : memref<32xi32, #tpu.memory_space<vmem>>) target_semaphore(%run_scoped3A : memref<!tpu.dma_semaphore, #tpu.memory_space<semaphore_mem>>)
      %dma_wait3A_9 = tpu.memref_slice %arg3[%mul3A_2] : memref<1024xi32, #tpu.memory_space<hbm>> -> memref<32xi32, #tpu.memory_space<hbm>>
      %dma_wait3A_10 = tpu.memref_slice %arg3[%mul3A_2] : memref<1024xi32, #tpu.memory_space<hbm>> -> memref<32xi32, #tpu.memory_space<hbm>>
      tpu.wait_dma2 semaphore(%run_scoped3A : memref<!tpu.dma_semaphore, #tpu.memory_space<semaphore_mem>>) src(%dma_wait3A_10 : memref<32xi32, #tpu.memory_space<hbm>>) dst(%arg5 : memref<32xi32, #tpu.memory_space<vmem>>)
      tpu.yield
    }) : () -> ()
    %dma_start3A = arith.constant 0 : i32
    %dma_start3A_3 = arith.constant 0 : i32
    %dma_start3A_4 = tpu.memref_slice %arg2[%dma_start3A, %dma_start3A_3] : memref<100000x128xf32, #tpu.memory_space<hbm>> -> memref<100000x128xf32, #tpu.memory_space<hbm>>
    tpu.enqueue_indirect_dma source(%dma_start3A_4 : memref<100000x128xf32, #tpu.memory_space<hbm>>) target(%arg6 : memref<32x128xf32, #tpu.memory_space<vmem>>) offsets(%arg5 : memref<32xi32, #tpu.memory_space<vmem>>) semaphore(%arg7 : memref<!tpu.dma_semaphore, #tpu.memory_space<semaphore_mem>>)
    %dma_wait3A = arith.constant 0 : i32
    %dma_wait3A_5 = arith.constant 0 : i32
    %dma_wait3A_6 = tpu.memref_slice %arg2[%dma_wait3A, %dma_wait3A_5] : memref<100000x128xf32, #tpu.memory_space<hbm>> -> memref<100000x128xf32, #tpu.memory_space<hbm>>
    tpu.wait_indirect_dma semaphore(%arg7 : memref<!tpu.dma_semaphore, #tpu.memory_space<semaphore_mem>>) src(%dma_wait3A_6 : memref<100000x128xf32, #tpu.memory_space<hbm>>) dst(%arg6 : memref<32x128xf32, #tpu.memory_space<vmem>>)
    "tpu.region"() ({
      %run_scoped3A = tpu.sem_alloc : memref<!tpu.dma_semaphore, #tpu.memory_space<semaphore_mem>>
      %dma_start3A_7 = arith.constant 0 : i32
      %dma_start3A_8 = tpu.memref_slice %arg4[%mul3A_2, %dma_start3A_7] : memref<1024x128xf32, #tpu.memory_space<hbm>> -> memref<32x128xf32, #tpu.memory_space<hbm>>
      %dma_start3A_9 = arith.constant 0 : i32
      %dma_start3A_10 = tpu.memref_slice %arg4[%mul3A_2, %dma_start3A_9] : memref<1024x128xf32, #tpu.memory_space<hbm>> -> memref<32x128xf32, #tpu.memory_space<hbm>>
      tpu.enqueue_dma source(%arg6 : memref<32x128xf32, #tpu.memory_space<vmem>>) target(%dma_start3A_10 : memref<32x128xf32, #tpu.memory_space<hbm>>) target_semaphore(%run_scoped3A : memref<!tpu.dma_semaphore, #tpu.memory_space<semaphore_mem>>)
      %dma_wait3A_11 = arith.constant 0 : i32
      %dma_wait3A_12 = tpu.memref_slice %arg4[%mul3A_2, %dma_wait3A_11] : memref<1024x128xf32, #tpu.memory_space<hbm>> -> memref<32x128xf32, #tpu.memory_space<hbm>>
      %dma_wait3A_13 = arith.constant 0 : i32
      %dma_wait3A_14 = tpu.memref_slice %arg4[%mul3A_2, %dma_wait3A_13] : memref<1024x128xf32, #tpu.memory_space<hbm>> -> memref<32x128xf32, #tpu.memory_space<hbm>>
      tpu.wait_dma2 semaphore(%run_scoped3A : memref<!tpu.dma_semaphore, #tpu.memory_space<semaphore_mem>>) src(%arg6 : memref<32x128xf32, #tpu.memory_space<vmem>>) dst(%dma_wait3A_14 : memref<32x128xf32, #tpu.memory_space<hbm>>)
      tpu.yield
    }) : () -> ()
    return
  }
}

module attributes {stable_mosaic.version = 14 : i64} {
  func.func @_fused_body(%arg0: i32, %arg1: memref<1024x128xf32, #tpu.memory_space<vmem>>, %arg2: memref<8192x128xf32, #tpu.memory_space<vmem>>, %arg3: memref<1024x128xf32, #tpu.memory_space<vmem>>, %arg4: memref<1x1xf32, #tpu.memory_space<vmem>>, %arg5: memref<1024x768xf32, #tpu.memory_space<vmem>>, %arg6: memref<1024x128xf32, #tpu.memory_space<vmem>>) attributes {dimension_semantics = [#tpu.dimension_semantics<arbitrary>], iteration_bounds = array<i64: 13>, scalar_prefetch = 0 : i64, scratch_operands = 2 : i64, tpu.core_type = #tpu.core_type<tc>, window_params = [{pipeline_mode = #tpu.pipeline_mode<synchronous>, transform_indices = @transform_0, window_bounds = array<i64: 1024, 128>}, {transform_indices = @transform_1, window_bounds = array<i64: 8192, 128>}, {pipeline_mode = #tpu.pipeline_mode<synchronous>, transform_indices = @transform_2, window_bounds = array<i64: 1024, 128>}, {pipeline_mode = #tpu.pipeline_mode<synchronous>, transform_indices = @transform_3, window_bounds = array<i64: 1, 1>}]} {
    %eq3A = arith.constant 0 : i32
    %eq3A_0 = arith.cmpi eq, %arg0, %eq3A : i32
    %convert_element_type3A = arith.extui %eq3A_0 : i1 to i32
    %cond3A = arith.constant 0 : i32
    %cond3A_1 = arith.cmpi ne, %convert_element_type3A, %cond3A : i32
    scf.if %cond3A_1 {
      %broadcast_in_dim3A = arith.constant -1.000000e+30 : f32
      %broadcast_in_dim3A_13 = vector.broadcast %broadcast_in_dim3A : f32 to vector<1024x768xf32>
      %swap3A = arith.constant 0 : index
      %swap3A_14 = arith.constant 0 : index
      %swap3A_15 = vector.load %arg5[%swap3A, %swap3A_14] : memref<1024x768xf32, #tpu.memory_space<vmem>>, vector<1024x768xf32>
      tpu.vector_store %arg5[%swap3A, %swap3A_14], %broadcast_in_dim3A_13 {strides = array<i32>} : memref<1024x768xf32, #tpu.memory_space<vmem>>, vector<1024x768xf32>,
      %broadcast_in_dim3A_16 = arith.constant 0.000000e+00 : f32
      %broadcast_in_dim3A_17 = vector.broadcast %broadcast_in_dim3A_16 : f32 to vector<1024x128xf32>
      %swap3A_18 = arith.constant 0 : index
      %swap3A_19 = arith.constant 0 : index
      %swap3A_20 = vector.load %arg6[%swap3A_18, %swap3A_19] : memref<1024x128xf32, #tpu.memory_space<vmem>>, vector<1024x128xf32>
      tpu.vector_store %arg6[%swap3A_18, %swap3A_19], %broadcast_in_dim3A_17 {strides = array<i32>} : memref<1024x128xf32, #tpu.memory_space<vmem>>, vector<1024x128xf32>,
    } else {
    }
    %get3A = arith.constant 0 : index
    %get3A_2 = arith.constant 0 : index
    %get3A_3 = vector.load %arg1[%get3A, %get3A_2] : memref<1024x128xf32, #tpu.memory_space<vmem>>, vector<1024x128xf32>
    %lt3A = arith.constant 12 : i32
    %lt3A_4 = arith.cmpi slt, %arg0, %lt3A : i32
    %convert_element_type3A_5 = arith.extui %lt3A_4 : i1 to i32
    %cond3A_6 = arith.constant 0 : i32
    %cond3A_7 = arith.cmpi ne, %convert_element_type3A_5, %cond3A_6 : i32
    scf.if %cond3A_7 {
      %get3A_13 = arith.constant 0 : index
      %get3A_14 = arith.constant 0 : index
      %get3A_15 = vector.load %arg2[%get3A_13, %get3A_14] : memref<8192x128xf32, #tpu.memory_space<vmem>>, vector<128x128xf32>
      %dot_general3A = arith.constant dense<0.000000e+00> : vector<1024x128xf32>
      %dot_general3A_16 = tpu.matmul %get3A_3, %get3A_15, %dot_general3A {dimension_numbers = #tpu.dot_dimension_numbers<[1], [1], [0], [0], [0, 0, 1, 0], [], []>, transpose_lhs_hint = false} : vector<1024x128xf32>, vector<128x128xf32>, vector<1024x128xf32> -> vector<1024x128xf32>
      %get3A_17 = arith.constant 128 : index
      %get3A_18 = arith.constant 0 : index
      %get3A_19 = vector.load %arg2[%get3A_17, %get3A_18] : memref<8192x128xf32, #tpu.memory_space<vmem>>, vector<128x128xf32>
      %dot_general3A_20 = arith.constant dense<0.000000e+00> : vector<1024x128xf32>
      %dot_general3A_21 = tpu.matmul %get3A_3, %get3A_19, %dot_general3A_20 {dimension_numbers = #tpu.dot_dimension_numbers<[1], [1], [0], [0], [0, 0, 1, 0], [], []>, transpose_lhs_hint = false} : vector<1024x128xf32>, vector<128x128xf32>, vector<1024x128xf32> -> vector<1024x128xf32>
      %get3A_22 = arith.constant 256 : index
      %get3A_23 = arith.constant 0 : index
      %get3A_24 = vector.load %arg2[%get3A_22, %get3A_23] : memref<8192x128xf32, #tpu.memory_space<vmem>>, vector<128x128xf32>
      %dot_general3A_25 = arith.constant dense<0.000000e+00> : vector<1024x128xf32>
      %dot_general3A_26 = tpu.matmul %get3A_3, %get3A_24, %dot_general3A_25 {dimension_numbers = #tpu.dot_dimension_numbers<[1], [1], [0], [0], [0, 0, 1, 0], [], []>, transpose_lhs_hint = false} : vector<1024x128xf32>, vector<128x128xf32>, vector<1024x128xf32> -> vector<1024x128xf32>
      %get3A_27 = arith.constant 384 : index
      %get3A_28 = arith.constant 0 : index
      %get3A_29 = vector.load %arg2[%get3A_27, %get3A_28] : memref<8192x128xf32, #tpu.memory_space<vmem>>, vector<128x128xf32>
      %dot_general3A_30 = arith.constant dense<0.000000e+00> : vector<1024x128xf32>
      %dot_general3A_31 = tpu.matmul %get3A_3, %get3A_29, %dot_general3A_30 {dimension_numbers = #tpu.dot_dimension_numbers<[1], [1], [0], [0], [0, 0, 1, 0], [], []>, transpose_lhs_hint = false} : vector<1024x128xf32>, vector<128x128xf32>, vector<1024x128xf32> -> vector<1024x128xf32>
      %get3A_32 = arith.constant 512 : index
      %get3A_33 = arith.constant 0 : index
      %get3A_34 = vector.load %arg2[%get3A_32, %get3A_33] : memref<8192x128xf32, #tpu.memory_space<vmem>>, vector<128x128xf32>
      %dot_general3A_35 = arith.constant dense<0.000000e+00> : vector<1024x128xf32>
      %dot_general3A_36 = tpu.matmul %get3A_3, %get3A_34, %dot_general3A_35 {dimension_numbers = #tpu.dot_dimension_numbers<[1], [1], [0], [0], [0, 0, 1, 0], [], []>, transpose_lhs_hint = false} : vector<1024x128xf32>, vector<128x128xf32>, vector<1024x128xf32> -> vector<1024x128xf32>
      %get3A_37 = arith.constant 640 : index
      %get3A_38 = arith.constant 0 : index
      %get3A_39 = vector.load %arg2[%get3A_37, %get3A_38] : memref<8192x128xf32, #tpu.memory_space<vmem>>, vector<128x128xf32>
      %dot_general3A_40 = arith.constant dense<0.000000e+00> : vector<1024x128xf32>
      %dot_general3A_41 = tpu.matmul %get3A_3, %get3A_39, %dot_general3A_40 {dimension_numbers = #tpu.dot_dimension_numbers<[1], [1], [0], [0], [0, 0, 1, 0], [], []>, transpose_lhs_hint = false} : vector<1024x128xf32>, vector<128x128xf32>, vector<1024x128xf32> -> vector<1024x128xf32>
      %get3A_42 = arith.constant 768 : index
      %get3A_43 = arith.constant 0 : index
      %get3A_44 = vector.load %arg2[%get3A_42, %get3A_43] : memref<8192x128xf32, #tpu.memory_space<vmem>>, vector<128x128xf32>
      %dot_general3A_45 = arith.constant dense<0.000000e+00> : vector<1024x128xf32>
      %dot_general3A_46 = tpu.matmul %get3A_3, %get3A_44, %dot_general3A_45 {dimension_numbers = #tpu.dot_dimension_numbers<[1], [1], [0], [0], [0, 0, 1, 0], [], []>, transpose_lhs_hint = false} : vector<1024x128xf32>, vector<128x128xf32>, vector<1024x128xf32> -> vector<1024x128xf32>
      %get3A_47 = arith.constant 896 : index
      %get3A_48 = arith.constant 0 : index
      %get3A_49 = vector.load %arg2[%get3A_47, %get3A_48] : memref<8192x128xf32, #tpu.memory_space<vmem>>, vector<128x128xf32>
      %dot_general3A_50 = arith.constant dense<0.000000e+00> : vector<1024x128xf32>
      %dot_general3A_51 = tpu.matmul %get3A_3, %get3A_49, %dot_general3A_50 {dimension_numbers = #tpu.dot_dimension_numbers<[1], [1], [0], [0], [0, 0, 1, 0], [], []>, transpose_lhs_hint = false} : vector<1024x128xf32>, vector<128x128xf32>, vector<1024x128xf32> -> vector<1024x128xf32>
      %get3A_52 = arith.constant 1024 : index
      %get3A_53 = arith.constant 0 : index
      %get3A_54 = vector.load %arg2[%get3A_52, %get3A_53] : memref<8192x128xf32, #tpu.memory_space<vmem>>, vector<128x128xf32>
      %dot_general3A_55 = arith.constant dense<0.000000e+00> : vector<1024x128xf32>
      %dot_general3A_56 = tpu.matmul %get3A_3, %get3A_54, %dot_general3A_55 {dimension_numbers = #tpu.dot_dimension_numbers<[1], [1], [0], [0], [0, 0, 1, 0], [], []>, transpose_lhs_hint = false} : vector<1024x128xf32>, vector<128x128xf32>, vector<1024x128xf32> -> vector<1024x128xf32>
      %get3A_57 = arith.constant 1152 : index
      %get3A_58 = arith.constant 0 : index
      %get3A_59 = vector.load %arg2[%get3A_57, %get3A_58] : memref<8192x128xf32, #tpu.memory_space<vmem>>, vector<128x128xf32>
      %dot_general3A_60 = arith.constant dense<0.000000e+00> : vector<1024x128xf32>
      %dot_general3A_61 = tpu.matmul %get3A_3, %get3A_59, %dot_general3A_60 {dimension_numbers = #tpu.dot_dimension_numbers<[1], [1], [0], [0], [0, 0, 1, 0], [], []>, transpose_lhs_hint = false} : vector<1024x128xf32>, vector<128x128xf32>, vector<1024x128xf32> -> vector<1024x128xf32>
      %get3A_62 = arith.constant 1280 : index
      %get3A_63 = arith.constant 0 : index
      %get3A_64 = vector.load %arg2[%get3A_62, %get3A_63] : memref<8192x128xf32, #tpu.memory_space<vmem>>, vector<128x128xf32>
      %dot_general3A_65 = arith.constant dense<0.000000e+00> : vector<1024x128xf32>
      %dot_general3A_66 = tpu.matmul %get3A_3, %get3A_64, %dot_general3A_65 {dimension_numbers = #tpu.dot_dimension_numbers<[1], [1], [0], [0], [0, 0, 1, 0], [], []>, transpose_lhs_hint = false} : vector<1024x128xf32>, vector<128x128xf32>, vector<1024x128xf32> -> vector<1024x128xf32>
      %get3A_67 = arith.constant 1408 : index
      %get3A_68 = arith.constant 0 : index
      %get3A_69 = vector.load %arg2[%get3A_67, %get3A_68] : memref<8192x128xf32, #tpu.memory_space<vmem>>, vector<128x128xf32>
      %dot_general3A_70 = arith.constant dense<0.000000e+00> : vector<1024x128xf32>
      %dot_general3A_71 = tpu.matmul %get3A_3, %get3A_69, %dot_general3A_70 {dimension_numbers = #tpu.dot_dimension_numbers<[1], [1], [0], [0], [0, 0, 1, 0], [], []>, transpose_lhs_hint = false} : vector<1024x128xf32>, vector<128x128xf32>, vector<1024x128xf32> -> vector<1024x128xf32>
      %get3A_72 = arith.constant 1536 : index
      %get3A_73 = arith.constant 0 : index
      %get3A_74 = vector.load %arg2[%get3A_72, %get3A_73] : memref<8192x128xf32, #tpu.memory_space<vmem>>, vector<128x128xf32>
      %dot_general3A_75 = arith.constant dense<0.000000e+00> : vector<1024x128xf32>
      %dot_general3A_76 = tpu.matmul %get3A_3, %get3A_74, %dot_general3A_75 {dimension_numbers = #tpu.dot_dimension_numbers<[1], [1], [0], [0], [0, 0, 1, 0], [], []>, transpose_lhs_hint = false} : vector<1024x128xf32>, vector<128x128xf32>, vector<1024x128xf32> -> vector<1024x128xf32>
      %get3A_77 = arith.constant 1664 : index
      %get3A_78 = arith.constant 0 : index
      %get3A_79 = vector.load %arg2[%get3A_77, %get3A_78] : memref<8192x128xf32, #tpu.memory_space<vmem>>, vector<128x128xf32>
      %dot_general3A_80 = arith.constant dense<0.000000e+00> : vector<1024x128xf32>
      %dot_general3A_81 = tpu.matmul %get3A_3, %get3A_79, %dot_general3A_80 {dimension_numbers = #tpu.dot_dimension_numbers<[1], [1], [0], [0], [0, 0, 1, 0], [], []>, transpose_lhs_hint = false} : vector<1024x128xf32>, vector<128x128xf32>, vector<1024x128xf32> -> vector<1024x128xf32>
      %get3A_82 = arith.constant 1792 : index
      %get3A_83 = arith.constant 0 : index
      %get3A_84 = vector.load %arg2[%get3A_82, %get3A_83] : memref<8192x128xf32, #tpu.memory_space<vmem>>, vector<128x128xf32>
      %dot_general3A_85 = arith.constant dense<0.000000e+00> : vector<1024x128xf32>
      %dot_general3A_86 = tpu.matmul %get3A_3, %get3A_84, %dot_general3A_85 {dimension_numbers = #tpu.dot_dimension_numbers<[1], [1], [0], [0], [0, 0, 1, 0], [], []>, transpose_lhs_hint = false} : vector<1024x128xf32>, vector<128x128xf32>, vector<1024x128xf32> -> vector<1024x128xf32>
      %get3A_87 = arith.constant 1920 : index
      %get3A_88 = arith.constant 0 : index
      %get3A_89 = vector.load %arg2[%get3A_87, %get3A_88] : memref<8192x128xf32, #tpu.memory_space<vmem>>, vector<128x128xf32>
      %dot_general3A_90 = arith.constant dense<0.000000e+00> : vector<1024x128xf32>
      %dot_general3A_91 = tpu.matmul %get3A_3, %get3A_89, %dot_general3A_90 {dimension_numbers = #tpu.dot_dimension_numbers<[1], [1], [0], [0], [0, 0, 1, 0], [], []>, transpose_lhs_hint = false} : vector<1024x128xf32>, vector<128x128xf32>, vector<1024x128xf32> -> vector<1024x128xf32>
      %get3A_92 = arith.constant 2048 : index
      %get3A_93 = arith.constant 0 : index
      %get3A_94 = vector.load %arg2[%get3A_92, %get3A_93] : memref<8192x128xf32, #tpu.memory_space<vmem>>, vector<128x128xf32>
      %dot_general3A_95 = arith.constant dense<0.000000e+00> : vector<1024x128xf32>
      %dot_general3A_96 = tpu.matmul %get3A_3, %get3A_94, %dot_general3A_95 {dimension_numbers = #tpu.dot_dimension_numbers<[1], [1], [0], [0], [0, 0, 1, 0], [], []>, transpose_lhs_hint = false} : vector<1024x128xf32>, vector<128x128xf32>, vector<1024x128xf32> -> vector<1024x128xf32>
      %get3A_97 = arith.constant 2176 : index
      %get3A_98 = arith.constant 0 : index
      %get3A_99 = vector.load %arg2[%get3A_97, %get3A_98] : memref<8192x128xf32, #tpu.memory_space<vmem>>, vector<128x128xf32>
      %dot_general3A_100 = arith.constant dense<0.000000e+00> : vector<1024x128xf32>
      %dot_general3A_101 = tpu.matmul %get3A_3, %get3A_99, %dot_general3A_100 {dimension_numbers = #tpu.dot_dimension_numbers<[1], [1], [0], [0], [0, 0, 1, 0], [], []>, transpose_lhs_hint = false} : vector<1024x128xf32>, vector<128x128xf32>, vector<1024x128xf32> -> vector<1024x128xf32>
      %get3A_102 = arith.constant 2304 : index
      %get3A_103 = arith.constant 0 : index
      %get3A_104 = vector.load %arg2[%get3A_102, %get3A_103] : memref<8192x128xf32, #tpu.memory_space<vmem>>, vector<128x128xf32>
      %dot_general3A_105 = arith.constant dense<0.000000e+00> : vector<1024x128xf32>
      %dot_general3A_106 = tpu.matmul %get3A_3, %get3A_104, %dot_general3A_105 {dimension_numbers = #tpu.dot_dimension_numbers<[1], [1], [0], [0], [0, 0, 1, 0], [], []>, transpose_lhs_hint = false} : vector<1024x128xf32>, vector<128x128xf32>, vector<1024x128xf32> -> vector<1024x128xf32>
      %get3A_107 = arith.constant 2432 : index
      %get3A_108 = arith.constant 0 : index
      %get3A_109 = vector.load %arg2[%get3A_107, %get3A_108] : memref<8192x128xf32, #tpu.memory_space<vmem>>, vector<128x128xf32>
      %dot_general3A_110 = arith.constant dense<0.000000e+00> : vector<1024x128xf32>
      %dot_general3A_111 = tpu.matmul %get3A_3, %get3A_109, %dot_general3A_110 {dimension_numbers = #tpu.dot_dimension_numbers<[1], [1], [0], [0], [0, 0, 1, 0], [], []>, transpose_lhs_hint = false} : vector<1024x128xf32>, vector<128x128xf32>, vector<1024x128xf32> -> vector<1024x128xf32>
      %get3A_112 = arith.constant 2560 : index
      %get3A_113 = arith.constant 0 : index
      %get3A_114 = vector.load %arg2[%get3A_112, %get3A_113] : memref<8192x128xf32, #tpu.memory_space<vmem>>, vector<128x128xf32>
      %dot_general3A_115 = arith.constant dense<0.000000e+00> : vector<1024x128xf32>
      %dot_general3A_116 = tpu.matmul %get3A_3, %get3A_114, %dot_general3A_115 {dimension_numbers = #tpu.dot_dimension_numbers<[1], [1], [0], [0], [0, 0, 1, 0], [], []>, transpose_lhs_hint = false} : vector<1024x128xf32>, vector<128x128xf32>, vector<1024x128xf32> -> vector<1024x128xf32>
      %get3A_117 = arith.constant 2688 : index
      %get3A_118 = arith.constant 0 : index
      %get3A_119 = vector.load %arg2[%get3A_117, %get3A_118] : memref<8192x128xf32, #tpu.memory_space<vmem>>, vector<128x128xf32>
      %dot_general3A_120 = arith.constant dense<0.000000e+00> : vector<1024x128xf32>
      %dot_general3A_121 = tpu.matmul %get3A_3, %get3A_119, %dot_general3A_120 {dimension_numbers = #tpu.dot_dimension_numbers<[1], [1], [0], [0], [0, 0, 1, 0], [], []>, transpose_lhs_hint = false} : vector<1024x128xf32>, vector<128x128xf32>, vector<1024x128xf32> -> vector<1024x128xf32>
      %get3A_122 = arith.constant 2816 : index
      %get3A_123 = arith.constant 0 : index
      %get3A_124 = vector.load %arg2[%get3A_122, %get3A_123] : memref<8192x128xf32, #tpu.memory_space<vmem>>, vector<128x128xf32>
      %dot_general3A_125 = arith.constant dense<0.000000e+00> : vector<1024x128xf32>
      %dot_general3A_126 = tpu.matmul %get3A_3, %get3A_124, %dot_general3A_125 {dimension_numbers = #tpu.dot_dimension_numbers<[1], [1], [0], [0], [0, 0, 1, 0], [], []>, transpose_lhs_hint = false} : vector<1024x128xf32>, vector<128x128xf32>, vector<1024x128xf32> -> vector<1024x128xf32>
      %get3A_127 = arith.constant 2944 : index
      %get3A_128 = arith.constant 0 : index
      %get3A_129 = vector.load %arg2[%get3A_127, %get3A_128] : memref<8192x128xf32, #tpu.memory_space<vmem>>, vector<128x128xf32>
      %dot_general3A_130 = arith.constant dense<0.000000e+00> : vector<1024x128xf32>
      %dot_general3A_131 = tpu.matmul %get3A_3, %get3A_129, %dot_general3A_130 {dimension_numbers = #tpu.dot_dimension_numbers<[1], [1], [0], [0], [0, 0, 1, 0], [], []>, transpose_lhs_hint = false} : vector<1024x128xf32>, vector<128x128xf32>, vector<1024x128xf32> -> vector<1024x128xf32>
      %get3A_132 = arith.constant 3072 : index
      %get3A_133 = arith.constant 0 : index
      %get3A_134 = vector.load %arg2[%get3A_132, %get3A_133] : memref<8192x128xf32, #tpu.memory_space<vmem>>, vector<128x128xf32>
      %dot_general3A_135 = arith.constant dense<0.000000e+00> : vector<1024x128xf32>
      %dot_general3A_136 = tpu.matmul %get3A_3, %get3A_134, %dot_general3A_135 {dimension_numbers = #tpu.dot_dimension_numbers<[1], [1], [0], [0], [0, 0, 1, 0], [], []>, transpose_lhs_hint = false} : vector<1024x128xf32>, vector<128x128xf32>, vector<1024x128xf32> -> vector<1024x128xf32>
      %get3A_137 = arith.constant 3200 : index
      %get3A_138 = arith.constant 0 : index
      %get3A_139 = vector.load %arg2[%get3A_137, %get3A_138] : memref<8192x128xf32, #tpu.memory_space<vmem>>, vector<128x128xf32>
      %dot_general3A_140 = arith.constant dense<0.000000e+00> : vector<1024x128xf32>
      %dot_general3A_141 = tpu.matmul %get3A_3, %get3A_139, %dot_general3A_140 {dimension_numbers = #tpu.dot_dimension_numbers<[1], [1], [0], [0], [0, 0, 1, 0], [], []>, transpose_lhs_hint = false} : vector<1024x128xf32>, vector<128x128xf32>, vector<1024x128xf32> -> vector<1024x128xf32>
      %get3A_142 = arith.constant 3328 : index
      %get3A_143 = arith.constant 0 : index
      %get3A_144 = vector.load %arg2[%get3A_142, %get3A_143] : memref<8192x128xf32, #tpu.memory_space<vmem>>, vector<128x128xf32>
      %dot_general3A_145 = arith.constant dense<0.000000e+00> : vector<1024x128xf32>
      %dot_general3A_146 = tpu.matmul %get3A_3, %get3A_144, %dot_general3A_145 {dimension_numbers = #tpu.dot_dimension_numbers<[1], [1], [0], [0], [0, 0, 1, 0], [], []>, transpose_lhs_hint = false} : vector<1024x128xf32>, vector<128x128xf32>, vector<1024x128xf32> -> vector<1024x128xf32>
      %get3A_147 = arith.constant 3456 : index
      %get3A_148 = arith.constant 0 : index
      %get3A_149 = vector.load %arg2[%get3A_147, %get3A_148] : memref<8192x128xf32, #tpu.memory_space<vmem>>, vector<128x128xf32>
      %dot_general3A_150 = arith.constant dense<0.000000e+00> : vector<1024x128xf32>
      %dot_general3A_151 = tpu.matmul %get3A_3, %get3A_149, %dot_general3A_150 {dimension_numbers = #tpu.dot_dimension_numbers<[1], [1], [0], [0], [0, 0, 1, 0], [], []>, transpose_lhs_hint = false} : vector<1024x128xf32>, vector<128x128xf32>, vector<1024x128xf32> -> vector<1024x128xf32>
      %get3A_152 = arith.constant 3584 : index
      %get3A_153 = arith.constant 0 : index
      %get3A_154 = vector.load %arg2[%get3A_152, %get3A_153] : memref<8192x128xf32, #tpu.memory_space<vmem>>, vector<128x128xf32>
      %dot_general3A_155 = arith.constant dense<0.000000e+00> : vector<1024x128xf32>
      %dot_general3A_156 = tpu.matmul %get3A_3, %get3A_154, %dot_general3A_155 {dimension_numbers = #tpu.dot_dimension_numbers<[1], [1], [0], [0], [0, 0, 1, 0], [], []>, transpose_lhs_hint = false} : vector<1024x128xf32>, vector<128x128xf32>, vector<1024x128xf32> -> vector<1024x128xf32>
      %get3A_157 = arith.constant 3712 : index
      %get3A_158 = arith.constant 0 : index
      %get3A_159 = vector.load %arg2[%get3A_157, %get3A_158] : memref<8192x128xf32, #tpu.memory_space<vmem>>, vector<128x128xf32>
      %dot_general3A_160 = arith.constant dense<0.000000e+00> : vector<1024x128xf32>
      %dot_general3A_161 = tpu.matmul %get3A_3, %get3A_159, %dot_general3A_160 {dimension_numbers = #tpu.dot_dimension_numbers<[1], [1], [0], [0], [0, 0, 1, 0], [], []>, transpose_lhs_hint = false} : vector<1024x128xf32>, vector<128x128xf32>, vector<1024x128xf32> -> vector<1024x128xf32>
      %get3A_162 = arith.constant 3840 : index
      %get3A_163 = arith.constant 0 : index
      %get3A_164 = vector.load %arg2[%get3A_162, %get3A_163] : memref<8192x128xf32, #tpu.memory_space<vmem>>, vector<128x128xf32>
      %dot_general3A_165 = arith.constant dense<0.000000e+00> : vector<1024x128xf32>
      %dot_general3A_166 = tpu.matmul %get3A_3, %get3A_164, %dot_general3A_165 {dimension_numbers = #tpu.dot_dimension_numbers<[1], [1], [0], [0], [0, 0, 1, 0], [], []>, transpose_lhs_hint = false} : vector<1024x128xf32>, vector<128x128xf32>, vector<1024x128xf32> -> vector<1024x128xf32>
      %get3A_167 = arith.constant 3968 : index
      %get3A_168 = arith.constant 0 : index
      %get3A_169 = vector.load %arg2[%get3A_167, %get3A_168] : memref<8192x128xf32, #tpu.memory_space<vmem>>, vector<128x128xf32>
      %dot_general3A_170 = arith.constant dense<0.000000e+00> : vector<1024x128xf32>
      %dot_general3A_171 = tpu.matmul %get3A_3, %get3A_169, %dot_general3A_170 {dimension_numbers = #tpu.dot_dimension_numbers<[1], [1], [0], [0], [0, 0, 1, 0], [], []>, transpose_lhs_hint = false} : vector<1024x128xf32>, vector<128x128xf32>, vector<1024x128xf32> -> vector<1024x128xf32>
      %get3A_172 = arith.constant 4096 : index
      %get3A_173 = arith.constant 0 : index
      %get3A_174 = vector.load %arg2[%get3A_172, %get3A_173] : memref<8192x128xf32, #tpu.memory_space<vmem>>, vector<128x128xf32>
      %dot_general3A_175 = arith.constant dense<0.000000e+00> : vector<1024x128xf32>
      %dot_general3A_176 = tpu.matmul %get3A_3, %get3A_174, %dot_general3A_175 {dimension_numbers = #tpu.dot_dimension_numbers<[1], [1], [0], [0], [0, 0, 1, 0], [], []>, transpose_lhs_hint = false} : vector<1024x128xf32>, vector<128x128xf32>, vector<1024x128xf32> -> vector<1024x128xf32>
      %get3A_177 = arith.constant 4224 : index
      %get3A_178 = arith.constant 0 : index
      %get3A_179 = vector.load %arg2[%get3A_177, %get3A_178] : memref<8192x128xf32, #tpu.memory_space<vmem>>, vector<128x128xf32>
      %dot_general3A_180 = arith.constant dense<0.000000e+00> : vector<1024x128xf32>
      %dot_general3A_181 = tpu.matmul %get3A_3, %get3A_179, %dot_general3A_180 {dimension_numbers = #tpu.dot_dimension_numbers<[1], [1], [0], [0], [0, 0, 1, 0], [], []>, transpose_lhs_hint = false} : vector<1024x128xf32>, vector<128x128xf32>, vector<1024x128xf32> -> vector<1024x128xf32>
      %get3A_182 = arith.constant 4352 : index
      %get3A_183 = arith.constant 0 : index
      %get3A_184 = vector.load %arg2[%get3A_182, %get3A_183] : memref<8192x128xf32, #tpu.memory_space<vmem>>, vector<128x128xf32>
      %dot_general3A_185 = arith.constant dense<0.000000e+00> : vector<1024x128xf32>
      %dot_general3A_186 = tpu.matmul %get3A_3, %get3A_184, %dot_general3A_185 {dimension_numbers = #tpu.dot_dimension_numbers<[1], [1], [0], [0], [0, 0, 1, 0], [], []>, transpose_lhs_hint = false} : vector<1024x128xf32>, vector<128x128xf32>, vector<1024x128xf32> -> vector<1024x128xf32>
      %get3A_187 = arith.constant 4480 : index
      %get3A_188 = arith.constant 0 : index
      %get3A_189 = vector.load %arg2[%get3A_187, %get3A_188] : memref<8192x128xf32, #tpu.memory_space<vmem>>, vector<128x128xf32>
      %dot_general3A_190 = arith.constant dense<0.000000e+00> : vector<1024x128xf32>
      %dot_general3A_191 = tpu.matmul %get3A_3, %get3A_189, %dot_general3A_190 {dimension_numbers = #tpu.dot_dimension_numbers<[1], [1], [0], [0], [0, 0, 1, 0], [], []>, transpose_lhs_hint = false} : vector<1024x128xf32>, vector<128x128xf32>, vector<1024x128xf32> -> vector<1024x128xf32>
      %get3A_192 = arith.constant 4608 : index
      %get3A_193 = arith.constant 0 : index
      %get3A_194 = vector.load %arg2[%get3A_192, %get3A_193] : memref<8192x128xf32, #tpu.memory_space<vmem>>, vector<128x128xf32>
      %dot_general3A_195 = arith.constant dense<0.000000e+00> : vector<1024x128xf32>
      %dot_general3A_196 = tpu.matmul %get3A_3, %get3A_194, %dot_general3A_195 {dimension_numbers = #tpu.dot_dimension_numbers<[1], [1], [0], [0], [0, 0, 1, 0], [], []>, transpose_lhs_hint = false} : vector<1024x128xf32>, vector<128x128xf32>, vector<1024x128xf32> -> vector<1024x128xf32>
      %get3A_197 = arith.constant 4736 : index
      %get3A_198 = arith.constant 0 : index
      %get3A_199 = vector.load %arg2[%get3A_197, %get3A_198] : memref<8192x128xf32, #tpu.memory_space<vmem>>, vector<128x128xf32>
      %dot_general3A_200 = arith.constant dense<0.000000e+00> : vector<1024x128xf32>
      %dot_general3A_201 = tpu.matmul %get3A_3, %get3A_199, %dot_general3A_200 {dimension_numbers = #tpu.dot_dimension_numbers<[1], [1], [0], [0], [0, 0, 1, 0], [], []>, transpose_lhs_hint = false} : vector<1024x128xf32>, vector<128x128xf32>, vector<1024x128xf32> -> vector<1024x128xf32>
      %get3A_202 = arith.constant 4864 : index
      %get3A_203 = arith.constant 0 : index
      %get3A_204 = vector.load %arg2[%get3A_202, %get3A_203] : memref<8192x128xf32, #tpu.memory_space<vmem>>, vector<128x128xf32>
      %dot_general3A_205 = arith.constant dense<0.000000e+00> : vector<1024x128xf32>
      %dot_general3A_206 = tpu.matmul %get3A_3, %get3A_204, %dot_general3A_205 {dimension_numbers = #tpu.dot_dimension_numbers<[1], [1], [0], [0], [0, 0, 1, 0], [], []>, transpose_lhs_hint = false} : vector<1024x128xf32>, vector<128x128xf32>, vector<1024x128xf32> -> vector<1024x128xf32>
      %get3A_207 = arith.constant 4992 : index
      %get3A_208 = arith.constant 0 : index
      %get3A_209 = vector.load %arg2[%get3A_207, %get3A_208] : memref<8192x128xf32, #tpu.memory_space<vmem>>, vector<128x128xf32>
      %dot_general3A_210 = arith.constant dense<0.000000e+00> : vector<1024x128xf32>
      %dot_general3A_211 = tpu.matmul %get3A_3, %get3A_209, %dot_general3A_210 {dimension_numbers = #tpu.dot_dimension_numbers<[1], [1], [0], [0], [0, 0, 1, 0], [], []>, transpose_lhs_hint = false} : vector<1024x128xf32>, vector<128x128xf32>, vector<1024x128xf32> -> vector<1024x128xf32>
      %get3A_212 = arith.constant 5120 : index
      %get3A_213 = arith.constant 0 : index
      %get3A_214 = vector.load %arg2[%get3A_212, %get3A_213] : memref<8192x128xf32, #tpu.memory_space<vmem>>, vector<128x128xf32>
      %dot_general3A_215 = arith.constant dense<0.000000e+00> : vector<1024x128xf32>
      %dot_general3A_216 = tpu.matmul %get3A_3, %get3A_214, %dot_general3A_215 {dimension_numbers = #tpu.dot_dimension_numbers<[1], [1], [0], [0], [0, 0, 1, 0], [], []>, transpose_lhs_hint = false} : vector<1024x128xf32>, vector<128x128xf32>, vector<1024x128xf32> -> vector<1024x128xf32>
      %get3A_217 = arith.constant 5248 : index
      %get3A_218 = arith.constant 0 : index
      %get3A_219 = vector.load %arg2[%get3A_217, %get3A_218] : memref<8192x128xf32, #tpu.memory_space<vmem>>, vector<128x128xf32>
      %dot_general3A_220 = arith.constant dense<0.000000e+00> : vector<1024x128xf32>
      %dot_general3A_221 = tpu.matmul %get3A_3, %get3A_219, %dot_general3A_220 {dimension_numbers = #tpu.dot_dimension_numbers<[1], [1], [0], [0], [0, 0, 1, 0], [], []>, transpose_lhs_hint = false} : vector<1024x128xf32>, vector<128x128xf32>, vector<1024x128xf32> -> vector<1024x128xf32>
      %get3A_222 = arith.constant 5376 : index
      %get3A_223 = arith.constant 0 : index
      %get3A_224 = vector.load %arg2[%get3A_222, %get3A_223] : memref<8192x128xf32, #tpu.memory_space<vmem>>, vector<128x128xf32>
      %dot_general3A_225 = arith.constant dense<0.000000e+00> : vector<1024x128xf32>
      %dot_general3A_226 = tpu.matmul %get3A_3, %get3A_224, %dot_general3A_225 {dimension_numbers = #tpu.dot_dimension_numbers<[1], [1], [0], [0], [0, 0, 1, 0], [], []>, transpose_lhs_hint = false} : vector<1024x128xf32>, vector<128x128xf32>, vector<1024x128xf32> -> vector<1024x128xf32>
      %get3A_227 = arith.constant 5504 : index
      %get3A_228 = arith.constant 0 : index
      %get3A_229 = vector.load %arg2[%get3A_227, %get3A_228] : memref<8192x128xf32, #tpu.memory_space<vmem>>, vector<128x128xf32>
      %dot_general3A_230 = arith.constant dense<0.000000e+00> : vector<1024x128xf32>
      %dot_general3A_231 = tpu.matmul %get3A_3, %get3A_229, %dot_general3A_230 {dimension_numbers = #tpu.dot_dimension_numbers<[1], [1], [0], [0], [0, 0, 1, 0], [], []>, transpose_lhs_hint = false} : vector<1024x128xf32>, vector<128x128xf32>, vector<1024x128xf32> -> vector<1024x128xf32>
      %get3A_232 = arith.constant 5632 : index
      %get3A_233 = arith.constant 0 : index
      %get3A_234 = vector.load %arg2[%get3A_232, %get3A_233] : memref<8192x128xf32, #tpu.memory_space<vmem>>, vector<128x128xf32>
      %dot_general3A_235 = arith.constant dense<0.000000e+00> : vector<1024x128xf32>
      %dot_general3A_236 = tpu.matmul %get3A_3, %get3A_234, %dot_general3A_235 {dimension_numbers = #tpu.dot_dimension_numbers<[1], [1], [0], [0], [0, 0, 1, 0], [], []>, transpose_lhs_hint = false} : vector<1024x128xf32>, vector<128x128xf32>, vector<1024x128xf32> -> vector<1024x128xf32>
      %get3A_237 = arith.constant 5760 : index
      %get3A_238 = arith.constant 0 : index
      %get3A_239 = vector.load %arg2[%get3A_237, %get3A_238] : memref<8192x128xf32, #tpu.memory_space<vmem>>, vector<128x128xf32>
      %dot_general3A_240 = arith.constant dense<0.000000e+00> : vector<1024x128xf32>
      %dot_general3A_241 = tpu.matmul %get3A_3, %get3A_239, %dot_general3A_240 {dimension_numbers = #tpu.dot_dimension_numbers<[1], [1], [0], [0], [0, 0, 1, 0], [], []>, transpose_lhs_hint = false} : vector<1024x128xf32>, vector<128x128xf32>, vector<1024x128xf32> -> vector<1024x128xf32>
      %get3A_242 = arith.constant 5888 : index
      %get3A_243 = arith.constant 0 : index
      %get3A_244 = vector.load %arg2[%get3A_242, %get3A_243] : memref<8192x128xf32, #tpu.memory_space<vmem>>, vector<128x128xf32>
      %dot_general3A_245 = arith.constant dense<0.000000e+00> : vector<1024x128xf32>
      %dot_general3A_246 = tpu.matmul %get3A_3, %get3A_244, %dot_general3A_245 {dimension_numbers = #tpu.dot_dimension_numbers<[1], [1], [0], [0], [0, 0, 1, 0], [], []>, transpose_lhs_hint = false} : vector<1024x128xf32>, vector<128x128xf32>, vector<1024x128xf32> -> vector<1024x128xf32>
      %get3A_247 = arith.constant 6016 : index
      %get3A_248 = arith.constant 0 : index
      %get3A_249 = vector.load %arg2[%get3A_247, %get3A_248] : memref<8192x128xf32, #tpu.memory_space<vmem>>, vector<128x128xf32>
      %dot_general3A_250 = arith.constant dense<0.000000e+00> : vector<1024x128xf32>
      %dot_general3A_251 = tpu.matmul %get3A_3, %get3A_249, %dot_general3A_250 {dimension_numbers = #tpu.dot_dimension_numbers<[1], [1], [0], [0], [0, 0, 1, 0], [], []>, transpose_lhs_hint = false} : vector<1024x128xf32>, vector<128x128xf32>, vector<1024x128xf32> -> vector<1024x128xf32>
      %get3A_252 = arith.constant 6144 : index
      %get3A_253 = arith.constant 0 : index
      %get3A_254 = vector.load %arg2[%get3A_252, %get3A_253] : memref<8192x128xf32, #tpu.memory_space<vmem>>, vector<128x128xf32>
      %dot_general3A_255 = arith.constant dense<0.000000e+00> : vector<1024x128xf32>
      %dot_general3A_256 = tpu.matmul %get3A_3, %get3A_254, %dot_general3A_255 {dimension_numbers = #tpu.dot_dimension_numbers<[1], [1], [0], [0], [0, 0, 1, 0], [], []>, transpose_lhs_hint = false} : vector<1024x128xf32>, vector<128x128xf32>, vector<1024x128xf32> -> vector<1024x128xf32>
      %get3A_257 = arith.constant 6272 : index
      %get3A_258 = arith.constant 0 : index
      %get3A_259 = vector.load %arg2[%get3A_257, %get3A_258] : memref<8192x128xf32, #tpu.memory_space<vmem>>, vector<128x128xf32>
      %dot_general3A_260 = arith.constant dense<0.000000e+00> : vector<1024x128xf32>
      %dot_general3A_261 = tpu.matmul %get3A_3, %get3A_259, %dot_general3A_260 {dimension_numbers = #tpu.dot_dimension_numbers<[1], [1], [0], [0], [0, 0, 1, 0], [], []>, transpose_lhs_hint = false} : vector<1024x128xf32>, vector<128x128xf32>, vector<1024x128xf32> -> vector<1024x128xf32>
      %get3A_262 = arith.constant 6400 : index
      %get3A_263 = arith.constant 0 : index
      %get3A_264 = vector.load %arg2[%get3A_262, %get3A_263] : memref<8192x128xf32, #tpu.memory_space<vmem>>, vector<128x128xf32>
      %dot_general3A_265 = arith.constant dense<0.000000e+00> : vector<1024x128xf32>
      %dot_general3A_266 = tpu.matmul %get3A_3, %get3A_264, %dot_general3A_265 {dimension_numbers = #tpu.dot_dimension_numbers<[1], [1], [0], [0], [0, 0, 1, 0], [], []>, transpose_lhs_hint = false} : vector<1024x128xf32>, vector<128x128xf32>, vector<1024x128xf32> -> vector<1024x128xf32>
      %get3A_267 = arith.constant 6528 : index
      %get3A_268 = arith.constant 0 : index
      %get3A_269 = vector.load %arg2[%get3A_267, %get3A_268] : memref<8192x128xf32, #tpu.memory_space<vmem>>, vector<128x128xf32>
      %dot_general3A_270 = arith.constant dense<0.000000e+00> : vector<1024x128xf32>
      %dot_general3A_271 = tpu.matmul %get3A_3, %get3A_269, %dot_general3A_270 {dimension_numbers = #tpu.dot_dimension_numbers<[1], [1], [0], [0], [0, 0, 1, 0], [], []>, transpose_lhs_hint = false} : vector<1024x128xf32>, vector<128x128xf32>, vector<1024x128xf32> -> vector<1024x128xf32>
      %get3A_272 = arith.constant 6656 : index
      %get3A_273 = arith.constant 0 : index
      %get3A_274 = vector.load %arg2[%get3A_272, %get3A_273] : memref<8192x128xf32, #tpu.memory_space<vmem>>, vector<128x128xf32>
      %dot_general3A_275 = arith.constant dense<0.000000e+00> : vector<1024x128xf32>
      %dot_general3A_276 = tpu.matmul %get3A_3, %get3A_274, %dot_general3A_275 {dimension_numbers = #tpu.dot_dimension_numbers<[1], [1], [0], [0], [0, 0, 1, 0], [], []>, transpose_lhs_hint = false} : vector<1024x128xf32>, vector<128x128xf32>, vector<1024x128xf32> -> vector<1024x128xf32>
      %get3A_277 = arith.constant 6784 : index
      %get3A_278 = arith.constant 0 : index
      %get3A_279 = vector.load %arg2[%get3A_277, %get3A_278] : memref<8192x128xf32, #tpu.memory_space<vmem>>, vector<128x128xf32>
      %dot_general3A_280 = arith.constant dense<0.000000e+00> : vector<1024x128xf32>
      %dot_general3A_281 = tpu.matmul %get3A_3, %get3A_279, %dot_general3A_280 {dimension_numbers = #tpu.dot_dimension_numbers<[1], [1], [0], [0], [0, 0, 1, 0], [], []>, transpose_lhs_hint = false} : vector<1024x128xf32>, vector<128x128xf32>, vector<1024x128xf32> -> vector<1024x128xf32>
      %get3A_282 = arith.constant 6912 : index
      %get3A_283 = arith.constant 0 : index
      %get3A_284 = vector.load %arg2[%get3A_282, %get3A_283] : memref<8192x128xf32, #tpu.memory_space<vmem>>, vector<128x128xf32>
      %dot_general3A_285 = arith.constant dense<0.000000e+00> : vector<1024x128xf32>
      %dot_general3A_286 = tpu.matmul %get3A_3, %get3A_284, %dot_general3A_285 {dimension_numbers = #tpu.dot_dimension_numbers<[1], [1], [0], [0], [0, 0, 1, 0], [], []>, transpose_lhs_hint = false} : vector<1024x128xf32>, vector<128x128xf32>, vector<1024x128xf32> -> vector<1024x128xf32>
      %get3A_287 = arith.constant 7040 : index
      %get3A_288 = arith.constant 0 : index
      %get3A_289 = vector.load %arg2[%get3A_287, %get3A_288] : memref<8192x128xf32, #tpu.memory_space<vmem>>, vector<128x128xf32>
      %dot_general3A_290 = arith.constant dense<0.000000e+00> : vector<1024x128xf32>
      %dot_general3A_291 = tpu.matmul %get3A_3, %get3A_289, %dot_general3A_290 {dimension_numbers = #tpu.dot_dimension_numbers<[1], [1], [0], [0], [0, 0, 1, 0], [], []>, transpose_lhs_hint = false} : vector<1024x128xf32>, vector<128x128xf32>, vector<1024x128xf32> -> vector<1024x128xf32>
      %get3A_292 = arith.constant 7168 : index
      %get3A_293 = arith.constant 0 : index
      %get3A_294 = vector.load %arg2[%get3A_292, %get3A_293] : memref<8192x128xf32, #tpu.memory_space<vmem>>, vector<128x128xf32>
      %dot_general3A_295 = arith.constant dense<0.000000e+00> : vector<1024x128xf32>
      %dot_general3A_296 = tpu.matmul %get3A_3, %get3A_294, %dot_general3A_295 {dimension_numbers = #tpu.dot_dimension_numbers<[1], [1], [0], [0], [0, 0, 1, 0], [], []>, transpose_lhs_hint = false} : vector<1024x128xf32>, vector<128x128xf32>, vector<1024x128xf32> -> vector<1024x128xf32>
      %get3A_297 = arith.constant 7296 : index
      %get3A_298 = arith.constant 0 : index
      %get3A_299 = vector.load %arg2[%get3A_297, %get3A_298] : memref<8192x128xf32, #tpu.memory_space<vmem>>, vector<128x128xf32>
      %dot_general3A_300 = arith.constant dense<0.000000e+00> : vector<1024x128xf32>
      %dot_general3A_301 = tpu.matmul %get3A_3, %get3A_299, %dot_general3A_300 {dimension_numbers = #tpu.dot_dimension_numbers<[1], [1], [0], [0], [0, 0, 1, 0], [], []>, transpose_lhs_hint = false} : vector<1024x128xf32>, vector<128x128xf32>, vector<1024x128xf32> -> vector<1024x128xf32>
      %get3A_302 = arith.constant 7424 : index
      %get3A_303 = arith.constant 0 : index
      %get3A_304 = vector.load %arg2[%get3A_302, %get3A_303] : memref<8192x128xf32, #tpu.memory_space<vmem>>, vector<128x128xf32>
      %dot_general3A_305 = arith.constant dense<0.000000e+00> : vector<1024x128xf32>
      %dot_general3A_306 = tpu.matmul %get3A_3, %get3A_304, %dot_general3A_305 {dimension_numbers = #tpu.dot_dimension_numbers<[1], [1], [0], [0], [0, 0, 1, 0], [], []>, transpose_lhs_hint = false} : vector<1024x128xf32>, vector<128x128xf32>, vector<1024x128xf32> -> vector<1024x128xf32>
      %get3A_307 = arith.constant 7552 : index
      %get3A_308 = arith.constant 0 : index
      %get3A_309 = vector.load %arg2[%get3A_307, %get3A_308] : memref<8192x128xf32, #tpu.memory_space<vmem>>, vector<128x128xf32>
      %dot_general3A_310 = arith.constant dense<0.000000e+00> : vector<1024x128xf32>
      %dot_general3A_311 = tpu.matmul %get3A_3, %get3A_309, %dot_general3A_310 {dimension_numbers = #tpu.dot_dimension_numbers<[1], [1], [0], [0], [0, 0, 1, 0], [], []>, transpose_lhs_hint = false} : vector<1024x128xf32>, vector<128x128xf32>, vector<1024x128xf32> -> vector<1024x128xf32>
      %get3A_312 = arith.constant 7680 : index
      %get3A_313 = arith.constant 0 : index
      %get3A_314 = vector.load %arg2[%get3A_312, %get3A_313] : memref<8192x128xf32, #tpu.memory_space<vmem>>, vector<128x128xf32>
      %dot_general3A_315 = arith.constant dense<0.000000e+00> : vector<1024x128xf32>
      %dot_general3A_316 = tpu.matmul %get3A_3, %get3A_314, %dot_general3A_315 {dimension_numbers = #tpu.dot_dimension_numbers<[1], [1], [0], [0], [0, 0, 1, 0], [], []>, transpose_lhs_hint = false} : vector<1024x128xf32>, vector<128x128xf32>, vector<1024x128xf32> -> vector<1024x128xf32>
      %get3A_317 = arith.constant 7808 : index
      %get3A_318 = arith.constant 0 : index
      %get3A_319 = vector.load %arg2[%get3A_317, %get3A_318] : memref<8192x128xf32, #tpu.memory_space<vmem>>, vector<128x128xf32>
      %dot_general3A_320 = arith.constant dense<0.000000e+00> : vector<1024x128xf32>
      %dot_general3A_321 = tpu.matmul %get3A_3, %get3A_319, %dot_general3A_320 {dimension_numbers = #tpu.dot_dimension_numbers<[1], [1], [0], [0], [0, 0, 1, 0], [], []>, transpose_lhs_hint = false} : vector<1024x128xf32>, vector<128x128xf32>, vector<1024x128xf32> -> vector<1024x128xf32>
      %get3A_322 = arith.constant 7936 : index
      %get3A_323 = arith.constant 0 : index
      %get3A_324 = vector.load %arg2[%get3A_322, %get3A_323] : memref<8192x128xf32, #tpu.memory_space<vmem>>, vector<128x128xf32>
      %dot_general3A_325 = arith.constant dense<0.000000e+00> : vector<1024x128xf32>
      %dot_general3A_326 = tpu.matmul %get3A_3, %get3A_324, %dot_general3A_325 {dimension_numbers = #tpu.dot_dimension_numbers<[1], [1], [0], [0], [0, 0, 1, 0], [], []>, transpose_lhs_hint = false} : vector<1024x128xf32>, vector<128x128xf32>, vector<1024x128xf32> -> vector<1024x128xf32>
      %get3A_327 = arith.constant 8064 : index
      %get3A_328 = arith.constant 0 : index
      %get3A_329 = vector.load %arg2[%get3A_327, %get3A_328] : memref<8192x128xf32, #tpu.memory_space<vmem>>, vector<128x128xf32>
      %dot_general3A_330 = arith.constant dense<0.000000e+00> : vector<1024x128xf32>
      %dot_general3A_331 = tpu.matmul %get3A_3, %get3A_329, %dot_general3A_330 {dimension_numbers = #tpu.dot_dimension_numbers<[1], [1], [0], [0], [0, 0, 1, 0], [], []>, transpose_lhs_hint = false} : vector<1024x128xf32>, vector<128x128xf32>, vector<1024x128xf32> -> vector<1024x128xf32>
      %max3A = arith.maximumf %dot_general3A_16, %dot_general3A_21 : vector<1024x128xf32>
      %min3A = arith.minimumf %dot_general3A_16, %dot_general3A_21 : vector<1024x128xf32>
      %max3A_332 = arith.maximumf %dot_general3A_26, %dot_general3A_31 : vector<1024x128xf32>
      %min3A_333 = arith.minimumf %dot_general3A_26, %dot_general3A_31 : vector<1024x128xf32>
      %max3A_334 = arith.maximumf %dot_general3A_36, %dot_general3A_41 : vector<1024x128xf32>
      %min3A_335 = arith.minimumf %dot_general3A_36, %dot_general3A_41 : vector<1024x128xf32>
      %max3A_336 = arith.maximumf %dot_general3A_46, %dot_general3A_51 : vector<1024x128xf32>
      %min3A_337 = arith.minimumf %dot_general3A_46, %dot_general3A_51 : vector<1024x128xf32>
      %max3A_338 = arith.maximumf %dot_general3A_56, %dot_general3A_61 : vector<1024x128xf32>
      %min3A_339 = arith.minimumf %dot_general3A_56, %dot_general3A_61 : vector<1024x128xf32>
      %max3A_340 = arith.maximumf %dot_general3A_66, %dot_general3A_71 : vector<1024x128xf32>
      %min3A_341 = arith.minimumf %dot_general3A_66, %dot_general3A_71 : vector<1024x128xf32>
      %max3A_342 = arith.maximumf %dot_general3A_76, %dot_general3A_81 : vector<1024x128xf32>
      %min3A_343 = arith.minimumf %dot_general3A_76, %dot_general3A_81 : vector<1024x128xf32>
      %max3A_344 = arith.maximumf %dot_general3A_86, %dot_general3A_91 : vector<1024x128xf32>
      %min3A_345 = arith.minimumf %dot_general3A_86, %dot_general3A_91 : vector<1024x128xf32>
      %max3A_346 = arith.maximumf %max3A, %max3A_332 : vector<1024x128xf32>
      %min3A_347 = arith.minimumf %max3A, %max3A_332 : vector<1024x128xf32>
      %max3A_348 = arith.maximumf %min3A, %min3A_333 : vector<1024x128xf32>
      %min3A_349 = arith.minimumf %min3A, %min3A_333 : vector<1024x128xf32>
      %max3A_350 = arith.maximumf %min3A_347, %max3A_348 : vector<1024x128xf32>
      %min3A_351 = arith.minimumf %min3A_347, %max3A_348 : vector<1024x128xf32>
      %max3A_352 = arith.maximumf %max3A_334, %max3A_336 : vector<1024x128xf32>
      %min3A_353 = arith.minimumf %max3A_334, %max3A_336 : vector<1024x128xf32>
      %max3A_354 = arith.maximumf %min3A_335, %min3A_337 : vector<1024x128xf32>
      %min3A_355 = arith.minimumf %min3A_335, %min3A_337 : vector<1024x128xf32>
      %max3A_356 = arith.maximumf %min3A_353, %max3A_354 : vector<1024x128xf32>
      %min3A_357 = arith.minimumf %min3A_353, %max3A_354 : vector<1024x128xf32>
      %max3A_358 = arith.maximumf %max3A_338, %max3A_340 : vector<1024x128xf32>
      %min3A_359 = arith.minimumf %max3A_338, %max3A_340 : vector<1024x128xf32>
      %max3A_360 = arith.maximumf %min3A_339, %min3A_341 : vector<1024x128xf32>
      %min3A_361 = arith.minimumf %min3A_339, %min3A_341 : vector<1024x128xf32>
      %max3A_362 = arith.maximumf %min3A_359, %max3A_360 : vector<1024x128xf32>
      %min3A_363 = arith.minimumf %min3A_359, %max3A_360 : vector<1024x128xf32>
      %max3A_364 = arith.maximumf %max3A_342, %max3A_344 : vector<1024x128xf32>
      %min3A_365 = arith.minimumf %max3A_342, %max3A_344 : vector<1024x128xf32>
      %max3A_366 = arith.maximumf %min3A_343, %min3A_345 : vector<1024x128xf32>
      %min3A_367 = arith.minimumf %min3A_343, %min3A_345 : vector<1024x128xf32>
      %max3A_368 = arith.maximumf %min3A_365, %max3A_366 : vector<1024x128xf32>
      %min3A_369 = arith.minimumf %min3A_365, %max3A_366 : vector<1024x128xf32>
      %max3A_370 = arith.maximumf %max3A_346, %max3A_352 : vector<1024x128xf32>
      %min3A_371 = arith.minimumf %max3A_346, %max3A_352 : vector<1024x128xf32>
      %max3A_372 = arith.maximumf %min3A_351, %min3A_357 : vector<1024x128xf32>
      %min3A_373 = arith.minimumf %min3A_351, %min3A_357 : vector<1024x128xf32>
      %max3A_374 = arith.maximumf %min3A_371, %max3A_372 : vector<1024x128xf32>
      %min3A_375 = arith.minimumf %min3A_371, %max3A_372 : vector<1024x128xf32>
      %max3A_376 = arith.maximumf %max3A_350, %max3A_356 : vector<1024x128xf32>
      %min3A_377 = arith.minimumf %max3A_350, %max3A_356 : vector<1024x128xf32>
      %max3A_378 = arith.maximumf %min3A_349, %min3A_355 : vector<1024x128xf32>
      %max3A_379 = arith.maximumf %min3A_377, %max3A_378 : vector<1024x128xf32>
      %min3A_380 = arith.minimumf %min3A_377, %max3A_378 : vector<1024x128xf32>
      %max3A_381 = arith.maximumf %max3A_374, %max3A_376 : vector<1024x128xf32>
      %min3A_382 = arith.minimumf %max3A_374, %max3A_376 : vector<1024x128xf32>
      %max3A_383 = arith.maximumf %min3A_375, %max3A_379 : vector<1024x128xf32>
      %min3A_384 = arith.minimumf %min3A_375, %max3A_379 : vector<1024x128xf32>
      %max3A_385 = arith.maximumf %min3A_373, %min3A_380 : vector<1024x128xf32>
      %max3A_386 = arith.maximumf %max3A_358, %max3A_364 : vector<1024x128xf32>
      %min3A_387 = arith.minimumf %max3A_358, %max3A_364 : vector<1024x128xf32>
      %max3A_388 = arith.maximumf %min3A_363, %min3A_369 : vector<1024x128xf32>
      %min3A_389 = arith.minimumf %min3A_363, %min3A_369 : vector<1024x128xf32>
      %max3A_390 = arith.maximumf %min3A_387, %max3A_388 : vector<1024x128xf32>
      %min3A_391 = arith.minimumf %min3A_387, %max3A_388 : vector<1024x128xf32>
      %max3A_392 = arith.maximumf %max3A_362, %max3A_368 : vector<1024x128xf32>
      %min3A_393 = arith.minimumf %max3A_362, %max3A_368 : vector<1024x128xf32>
      %max3A_394 = arith.maximumf %min3A_361, %min3A_367 : vector<1024x128xf32>
      %max3A_395 = arith.maximumf %min3A_393, %max3A_394 : vector<1024x128xf32>
      %min3A_396 = arith.minimumf %min3A_393, %max3A_394 : vector<1024x128xf32>
      %max3A_397 = arith.maximumf %max3A_390, %max3A_392 : vector<1024x128xf32>
      %min3A_398 = arith.minimumf %max3A_390, %max3A_392 : vector<1024x128xf32>
      %max3A_399 = arith.maximumf %min3A_391, %max3A_395 : vector<1024x128xf32>
      %min3A_400 = arith.minimumf %min3A_391, %max3A_395 : vector<1024x128xf32>
      %max3A_401 = arith.maximumf %min3A_389, %min3A_396 : vector<1024x128xf32>
      %max3A_402 = arith.maximumf %max3A_370, %max3A_386 : vector<1024x128xf32>
      %min3A_403 = arith.minimumf %max3A_370, %max3A_386 : vector<1024x128xf32>
      %max3A_404 = arith.maximumf %max3A_381, %min3A_403 : vector<1024x128xf32>
      %max3A_405 = arith.maximumf %max3A_404, %max3A_397 : vector<1024x128xf32>
      %min3A_406 = arith.minimumf %max3A_381, %max3A_386 : vector<1024x128xf32>
      %min3A_407 = arith.minimumf %max3A_370, %max3A_397 : vector<1024x128xf32>
      %max3A_408 = arith.maximumf %min3A_382, %min3A_406 : vector<1024x128xf32>
      %max3A_409 = arith.maximumf %max3A_408, %min3A_407 : vector<1024x128xf32>
      %max3A_410 = arith.maximumf %max3A_409, %min3A_398 : vector<1024x128xf32>
      %min3A_411 = arith.minimumf %min3A_382, %max3A_386 : vector<1024x128xf32>
      %min3A_412 = arith.minimumf %max3A_381, %max3A_397 : vector<1024x128xf32>
      %min3A_413 = arith.minimumf %max3A_370, %min3A_398 : vector<1024x128xf32>
      %max3A_414 = arith.maximumf %max3A_383, %min3A_411 : vector<1024x128xf32>
      %max3A_415 = arith.maximumf %max3A_414, %min3A_412 : vector<1024x128xf32>
      %max3A_416 = arith.maximumf %max3A_415, %min3A_413 : vector<1024x128xf32>
      %max3A_417 = arith.maximumf %max3A_416, %max3A_399 : vector<1024x128xf32>
      %min3A_418 = arith.minimumf %max3A_383, %max3A_386 : vector<1024x128xf32>
      %min3A_419 = arith.minimumf %min3A_382, %max3A_397 : vector<1024x128xf32>
      %min3A_420 = arith.minimumf %max3A_381, %min3A_398 : vector<1024x128xf32>
      %min3A_421 = arith.minimumf %max3A_370, %max3A_399 : vector<1024x128xf32>
      %max3A_422 = arith.maximumf %min3A_384, %min3A_418 : vector<1024x128xf32>
      %max3A_423 = arith.maximumf %max3A_422, %min3A_419 : vector<1024x128xf32>
      %max3A_424 = arith.maximumf %max3A_423, %min3A_420 : vector<1024x128xf32>
      %max3A_425 = arith.maximumf %max3A_424, %min3A_421 : vector<1024x128xf32>
      %max3A_426 = arith.maximumf %max3A_425, %min3A_400 : vector<1024x128xf32>
      %min3A_427 = arith.minimumf %min3A_384, %max3A_386 : vector<1024x128xf32>
      %min3A_428 = arith.minimumf %max3A_383, %max3A_397 : vector<1024x128xf32>
      %min3A_429 = arith.minimumf %min3A_382, %min3A_398 : vector<1024x128xf32>
      %min3A_430 = arith.minimumf %max3A_381, %max3A_399 : vector<1024x128xf32>
      %min3A_431 = arith.minimumf %max3A_370, %min3A_400 : vector<1024x128xf32>
      %max3A_432 = arith.maximumf %max3A_385, %min3A_427 : vector<1024x128xf32>
      %max3A_433 = arith.maximumf %max3A_432, %min3A_428 : vector<1024x128xf32>
      %max3A_434 = arith.maximumf %max3A_433, %min3A_429 : vector<1024x128xf32>
      %max3A_435 = arith.maximumf %max3A_434, %min3A_430 : vector<1024x128xf32>
      %max3A_436 = arith.maximumf %max3A_435, %min3A_431 : vector<1024x128xf32>
      %max3A_437 = arith.maximumf %max3A_436, %max3A_401 : vector<1024x128xf32>
      %max3A_438 = arith.maximumf %dot_general3A_96, %dot_general3A_101 : vector<1024x128xf32>
      %min3A_439 = arith.minimumf %dot_general3A_96, %dot_general3A_101 : vector<1024x128xf32>
      %max3A_440 = arith.maximumf %dot_general3A_106, %dot_general3A_111 : vector<1024x128xf32>
      %min3A_441 = arith.minimumf %dot_general3A_106, %dot_general3A_111 : vector<1024x128xf32>
      %max3A_442 = arith.maximumf %dot_general3A_116, %dot_general3A_121 : vector<1024x128xf32>
      %min3A_443 = arith.minimumf %dot_general3A_116, %dot_general3A_121 : vector<1024x128xf32>
      %max3A_444 = arith.maximumf %dot_general3A_126, %dot_general3A_131 : vector<1024x128xf32>
      %min3A_445 = arith.minimumf %dot_general3A_126, %dot_general3A_131 : vector<1024x128xf32>
      %max3A_446 = arith.maximumf %dot_general3A_136, %dot_general3A_141 : vector<1024x128xf32>
      %min3A_447 = arith.minimumf %dot_general3A_136, %dot_general3A_141 : vector<1024x128xf32>
      %max3A_448 = arith.maximumf %dot_general3A_146, %dot_general3A_151 : vector<1024x128xf32>
      %min3A_449 = arith.minimumf %dot_general3A_146, %dot_general3A_151 : vector<1024x128xf32>
      %max3A_450 = arith.maximumf %dot_general3A_156, %dot_general3A_161 : vector<1024x128xf32>
      %min3A_451 = arith.minimumf %dot_general3A_156, %dot_general3A_161 : vector<1024x128xf32>
      %max3A_452 = arith.maximumf %dot_general3A_166, %dot_general3A_171 : vector<1024x128xf32>
      %min3A_453 = arith.minimumf %dot_general3A_166, %dot_general3A_171 : vector<1024x128xf32>
      %max3A_454 = arith.maximumf %max3A_438, %max3A_440 : vector<1024x128xf32>
      %min3A_455 = arith.minimumf %max3A_438, %max3A_440 : vector<1024x128xf32>
      %max3A_456 = arith.maximumf %min3A_439, %min3A_441 : vector<1024x128xf32>
      %min3A_457 = arith.minimumf %min3A_439, %min3A_441 : vector<1024x128xf32>
      %max3A_458 = arith.maximumf %min3A_455, %max3A_456 : vector<1024x128xf32>
      %min3A_459 = arith.minimumf %min3A_455, %max3A_456 : vector<1024x128xf32>
      %max3A_460 = arith.maximumf %max3A_442, %max3A_444 : vector<1024x128xf32>
      %min3A_461 = arith.minimumf %max3A_442, %max3A_444 : vector<1024x128xf32>
      %max3A_462 = arith.maximumf %min3A_443, %min3A_445 : vector<1024x128xf32>
      %min3A_463 = arith.minimumf %min3A_443, %min3A_445 : vector<1024x128xf32>
      %max3A_464 = arith.maximumf %min3A_461, %max3A_462 : vector<1024x128xf32>
      %min3A_465 = arith.minimumf %min3A_461, %max3A_462 : vector<1024x128xf32>
      %max3A_466 = arith.maximumf %max3A_446, %max3A_448 : vector<1024x128xf32>
      %min3A_467 = arith.minimumf %max3A_446, %max3A_448 : vector<1024x128xf32>
      %max3A_468 = arith.maximumf %min3A_447, %min3A_449 : vector<1024x128xf32>
      %min3A_469 = arith.minimumf %min3A_447, %min3A_449 : vector<1024x128xf32>
      %max3A_470 = arith.maximumf %min3A_467, %max3A_468 : vector<1024x128xf32>
      %min3A_471 = arith.minimumf %min3A_467, %max3A_468 : vector<1024x128xf32>
      %max3A_472 = arith.maximumf %max3A_450, %max3A_452 : vector<1024x128xf32>
      %min3A_473 = arith.minimumf %max3A_450, %max3A_452 : vector<1024x128xf32>
      %max3A_474 = arith.maximumf %min3A_451, %min3A_453 : vector<1024x128xf32>
      %min3A_475 = arith.minimumf %min3A_451, %min3A_453 : vector<1024x128xf32>
      %max3A_476 = arith.maximumf %min3A_473, %max3A_474 : vector<1024x128xf32>
      %min3A_477 = arith.minimumf %min3A_473, %max3A_474 : vector<1024x128xf32>
      %max3A_478 = arith.maximumf %max3A_454, %max3A_460 : vector<1024x128xf32>
      %min3A_479 = arith.minimumf %max3A_454, %max3A_460 : vector<1024x128xf32>
      %max3A_480 = arith.maximumf %min3A_459, %min3A_465 : vector<1024x128xf32>
      %min3A_481 = arith.minimumf %min3A_459, %min3A_465 : vector<1024x128xf32>
      %max3A_482 = arith.maximumf %min3A_479, %max3A_480 : vector<1024x128xf32>
      %min3A_483 = arith.minimumf %min3A_479, %max3A_480 : vector<1024x128xf32>
      %max3A_484 = arith.maximumf %max3A_458, %max3A_464 : vector<1024x128xf32>
      %min3A_485 = arith.minimumf %max3A_458, %max3A_464 : vector<1024x128xf32>
      %max3A_486 = arith.maximumf %min3A_457, %min3A_463 : vector<1024x128xf32>
      %max3A_487 = arith.maximumf %min3A_485, %max3A_486 : vector<1024x128xf32>
      %min3A_488 = arith.minimumf %min3A_485, %max3A_486 : vector<1024x128xf32>
      %max3A_489 = arith.maximumf %max3A_482, %max3A_484 : vector<1024x128xf32>
      %min3A_490 = arith.minimumf %max3A_482, %max3A_484 : vector<1024x128xf32>
      %max3A_491 = arith.maximumf %min3A_483, %max3A_487 : vector<1024x128xf32>
      %min3A_492 = arith.minimumf %min3A_483, %max3A_487 : vector<1024x128xf32>
      %max3A_493 = arith.maximumf %min3A_481, %min3A_488 : vector<1024x128xf32>
      %max3A_494 = arith.maximumf %max3A_466, %max3A_472 : vector<1024x128xf32>
      %min3A_495 = arith.minimumf %max3A_466, %max3A_472 : vector<1024x128xf32>
      %max3A_496 = arith.maximumf %min3A_471, %min3A_477 : vector<1024x128xf32>
      %min3A_497 = arith.minimumf %min3A_471, %min3A_477 : vector<1024x128xf32>
      %max3A_498 = arith.maximumf %min3A_495, %max3A_496 : vector<1024x128xf32>
      %min3A_499 = arith.minimumf %min3A_495, %max3A_496 : vector<1024x128xf32>
      %max3A_500 = arith.maximumf %max3A_470, %max3A_476 : vector<1024x128xf32>
      %min3A_501 = arith.minimumf %max3A_470, %max3A_476 : vector<1024x128xf32>
      %max3A_502 = arith.maximumf %min3A_469, %min3A_475 : vector<1024x128xf32>
      %max3A_503 = arith.maximumf %min3A_501, %max3A_502 : vector<1024x128xf32>
      %min3A_504 = arith.minimumf %min3A_501, %max3A_502 : vector<1024x128xf32>
      %max3A_505 = arith.maximumf %max3A_498, %max3A_500 : vector<1024x128xf32>
      %min3A_506 = arith.minimumf %max3A_498, %max3A_500 : vector<1024x128xf32>
      %max3A_507 = arith.maximumf %min3A_499, %max3A_503 : vector<1024x128xf32>
      %min3A_508 = arith.minimumf %min3A_499, %max3A_503 : vector<1024x128xf32>
      %max3A_509 = arith.maximumf %min3A_497, %min3A_504 : vector<1024x128xf32>
      %max3A_510 = arith.maximumf %max3A_478, %max3A_494 : vector<1024x128xf32>
      %min3A_511 = arith.minimumf %max3A_478, %max3A_494 : vector<1024x128xf32>
      %max3A_512 = arith.maximumf %max3A_489, %min3A_511 : vector<1024x128xf32>
      %max3A_513 = arith.maximumf %max3A_512, %max3A_505 : vector<1024x128xf32>
      %min3A_514 = arith.minimumf %max3A_489, %max3A_494 : vector<1024x128xf32>
      %min3A_515 = arith.minimumf %max3A_478, %max3A_505 : vector<1024x128xf32>
      %max3A_516 = arith.maximumf %min3A_490, %min3A_514 : vector<1024x128xf32>
      %max3A_517 = arith.maximumf %max3A_516, %min3A_515 : vector<1024x128xf32>
      %max3A_518 = arith.maximumf %max3A_517, %min3A_506 : vector<1024x128xf32>
      %min3A_519 = arith.minimumf %min3A_490, %max3A_494 : vector<1024x128xf32>
      %min3A_520 = arith.minimumf %max3A_489, %max3A_505 : vector<1024x128xf32>
      %min3A_521 = arith.minimumf %max3A_478, %min3A_506 : vector<1024x128xf32>
      %max3A_522 = arith.maximumf %max3A_491, %min3A_519 : vector<1024x128xf32>
      %max3A_523 = arith.maximumf %max3A_522, %min3A_520 : vector<1024x128xf32>
      %max3A_524 = arith.maximumf %max3A_523, %min3A_521 : vector<1024x128xf32>
      %max3A_525 = arith.maximumf %max3A_524, %max3A_507 : vector<1024x128xf32>
      %min3A_526 = arith.minimumf %max3A_491, %max3A_494 : vector<1024x128xf32>
      %min3A_527 = arith.minimumf %min3A_490, %max3A_505 : vector<1024x128xf32>
      %min3A_528 = arith.minimumf %max3A_489, %min3A_506 : vector<1024x128xf32>
      %min3A_529 = arith.minimumf %max3A_478, %max3A_507 : vector<1024x128xf32>
      %max3A_530 = arith.maximumf %min3A_492, %min3A_526 : vector<1024x128xf32>
      %max3A_531 = arith.maximumf %max3A_530, %min3A_527 : vector<1024x128xf32>
      %max3A_532 = arith.maximumf %max3A_531, %min3A_528 : vector<1024x128xf32>
      %max3A_533 = arith.maximumf %max3A_532, %min3A_529 : vector<1024x128xf32>
      %max3A_534 = arith.maximumf %max3A_533, %min3A_508 : vector<1024x128xf32>
      %min3A_535 = arith.minimumf %min3A_492, %max3A_494 : vector<1024x128xf32>
      %min3A_536 = arith.minimumf %max3A_491, %max3A_505 : vector<1024x128xf32>
      %min3A_537 = arith.minimumf %min3A_490, %min3A_506 : vector<1024x128xf32>
      %min3A_538 = arith.minimumf %max3A_489, %max3A_507 : vector<1024x128xf32>
      %min3A_539 = arith.minimumf %max3A_478, %min3A_508 : vector<1024x128xf32>
      %max3A_540 = arith.maximumf %max3A_493, %min3A_535 : vector<1024x128xf32>
      %max3A_541 = arith.maximumf %max3A_540, %min3A_536 : vector<1024x128xf32>
      %max3A_542 = arith.maximumf %max3A_541, %min3A_537 : vector<1024x128xf32>
      %max3A_543 = arith.maximumf %max3A_542, %min3A_538 : vector<1024x128xf32>
      %max3A_544 = arith.maximumf %max3A_543, %min3A_539 : vector<1024x128xf32>
      %max3A_545 = arith.maximumf %max3A_544, %max3A_509 : vector<1024x128xf32>
      %max3A_546 = arith.maximumf %dot_general3A_176, %dot_general3A_181 : vector<1024x128xf32>
      %min3A_547 = arith.minimumf %dot_general3A_176, %dot_general3A_181 : vector<1024x128xf32>
      %max3A_548 = arith.maximumf %dot_general3A_186, %dot_general3A_191 : vector<1024x128xf32>
      %min3A_549 = arith.minimumf %dot_general3A_186, %dot_general3A_191 : vector<1024x128xf32>
      %max3A_550 = arith.maximumf %dot_general3A_196, %dot_general3A_201 : vector<1024x128xf32>
      %min3A_551 = arith.minimumf %dot_general3A_196, %dot_general3A_201 : vector<1024x128xf32>
      %max3A_552 = arith.maximumf %dot_general3A_206, %dot_general3A_211 : vector<1024x128xf32>
      %min3A_553 = arith.minimumf %dot_general3A_206, %dot_general3A_211 : vector<1024x128xf32>
      %max3A_554 = arith.maximumf %dot_general3A_216, %dot_general3A_221 : vector<1024x128xf32>
      %min3A_555 = arith.minimumf %dot_general3A_216, %dot_general3A_221 : vector<1024x128xf32>
      %max3A_556 = arith.maximumf %dot_general3A_226, %dot_general3A_231 : vector<1024x128xf32>
      %min3A_557 = arith.minimumf %dot_general3A_226, %dot_general3A_231 : vector<1024x128xf32>
      %max3A_558 = arith.maximumf %dot_general3A_236, %dot_general3A_241 : vector<1024x128xf32>
      %min3A_559 = arith.minimumf %dot_general3A_236, %dot_general3A_241 : vector<1024x128xf32>
      %max3A_560 = arith.maximumf %dot_general3A_246, %dot_general3A_251 : vector<1024x128xf32>
      %min3A_561 = arith.minimumf %dot_general3A_246, %dot_general3A_251 : vector<1024x128xf32>
      %max3A_562 = arith.maximumf %max3A_546, %max3A_548 : vector<1024x128xf32>
      %min3A_563 = arith.minimumf %max3A_546, %max3A_548 : vector<1024x128xf32>
      %max3A_564 = arith.maximumf %min3A_547, %min3A_549 : vector<1024x128xf32>
      %min3A_565 = arith.minimumf %min3A_547, %min3A_549 : vector<1024x128xf32>
      %max3A_566 = arith.maximumf %min3A_563, %max3A_564 : vector<1024x128xf32>
      %min3A_567 = arith.minimumf %min3A_563, %max3A_564 : vector<1024x128xf32>
      %max3A_568 = arith.maximumf %max3A_550, %max3A_552 : vector<1024x128xf32>
      %min3A_569 = arith.minimumf %max3A_550, %max3A_552 : vector<1024x128xf32>
      %max3A_570 = arith.maximumf %min3A_551, %min3A_553 : vector<1024x128xf32>
      %min3A_571 = arith.minimumf %min3A_551, %min3A_553 : vector<1024x128xf32>
      %max3A_572 = arith.maximumf %min3A_569, %max3A_570 : vector<1024x128xf32>
      %min3A_573 = arith.minimumf %min3A_569, %max3A_570 : vector<1024x128xf32>
      %max3A_574 = arith.maximumf %max3A_554, %max3A_556 : vector<1024x128xf32>
      %min3A_575 = arith.minimumf %max3A_554, %max3A_556 : vector<1024x128xf32>
      %max3A_576 = arith.maximumf %min3A_555, %min3A_557 : vector<1024x128xf32>
      %min3A_577 = arith.minimumf %min3A_555, %min3A_557 : vector<1024x128xf32>
      %max3A_578 = arith.maximumf %min3A_575, %max3A_576 : vector<1024x128xf32>
      %min3A_579 = arith.minimumf %min3A_575, %max3A_576 : vector<1024x128xf32>
      %max3A_580 = arith.maximumf %max3A_558, %max3A_560 : vector<1024x128xf32>
      %min3A_581 = arith.minimumf %max3A_558, %max3A_560 : vector<1024x128xf32>
      %max3A_582 = arith.maximumf %min3A_559, %min3A_561 : vector<1024x128xf32>
      %min3A_583 = arith.minimumf %min3A_559, %min3A_561 : vector<1024x128xf32>
      %max3A_584 = arith.maximumf %min3A_581, %max3A_582 : vector<1024x128xf32>
      %min3A_585 = arith.minimumf %min3A_581, %max3A_582 : vector<1024x128xf32>
      %max3A_586 = arith.maximumf %max3A_562, %max3A_568 : vector<1024x128xf32>
      %min3A_587 = arith.minimumf %max3A_562, %max3A_568 : vector<1024x128xf32>
      %max3A_588 = arith.maximumf %min3A_567, %min3A_573 : vector<1024x128xf32>
      %min3A_589 = arith.minimumf %min3A_567, %min3A_573 : vector<1024x128xf32>
      %max3A_590 = arith.maximumf %min3A_587, %max3A_588 : vector<1024x128xf32>
      %min3A_591 = arith.minimumf %min3A_587, %max3A_588 : vector<1024x128xf32>
      %max3A_592 = arith.maximumf %max3A_566, %max3A_572 : vector<1024x128xf32>
      %min3A_593 = arith.minimumf %max3A_566, %max3A_572 : vector<1024x128xf32>
      %max3A_594 = arith.maximumf %min3A_565, %min3A_571 : vector<1024x128xf32>
      %max3A_595 = arith.maximumf %min3A_593, %max3A_594 : vector<1024x128xf32>
      %min3A_596 = arith.minimumf %min3A_593, %max3A_594 : vector<1024x128xf32>
      %max3A_597 = arith.maximumf %max3A_590, %max3A_592 : vector<1024x128xf32>
      %min3A_598 = arith.minimumf %max3A_590, %max3A_592 : vector<1024x128xf32>
      %max3A_599 = arith.maximumf %min3A_591, %max3A_595 : vector<1024x128xf32>
      %min3A_600 = arith.minimumf %min3A_591, %max3A_595 : vector<1024x128xf32>
      %max3A_601 = arith.maximumf %min3A_589, %min3A_596 : vector<1024x128xf32>
      %max3A_602 = arith.maximumf %max3A_574, %max3A_580 : vector<1024x128xf32>
      %min3A_603 = arith.minimumf %max3A_574, %max3A_580 : vector<1024x128xf32>
      %max3A_604 = arith.maximumf %min3A_579, %min3A_585 : vector<1024x128xf32>
      %min3A_605 = arith.minimumf %min3A_579, %min3A_585 : vector<1024x128xf32>
      %max3A_606 = arith.maximumf %min3A_603, %max3A_604 : vector<1024x128xf32>
      %min3A_607 = arith.minimumf %min3A_603, %max3A_604 : vector<1024x128xf32>
      %max3A_608 = arith.maximumf %max3A_578, %max3A_584 : vector<1024x128xf32>
      %min3A_609 = arith.minimumf %max3A_578, %max3A_584 : vector<1024x128xf32>
      %max3A_610 = arith.maximumf %min3A_577, %min3A_583 : vector<1024x128xf32>
      %max3A_611 = arith.maximumf %min3A_609, %max3A_610 : vector<1024x128xf32>
      %min3A_612 = arith.minimumf %min3A_609, %max3A_610 : vector<1024x128xf32>
      %max3A_613 = arith.maximumf %max3A_606, %max3A_608 : vector<1024x128xf32>
      %min3A_614 = arith.minimumf %max3A_606, %max3A_608 : vector<1024x128xf32>
      %max3A_615 = arith.maximumf %min3A_607, %max3A_611 : vector<1024x128xf32>
      %min3A_616 = arith.minimumf %min3A_607, %max3A_611 : vector<1024x128xf32>
      %max3A_617 = arith.maximumf %min3A_605, %min3A_612 : vector<1024x128xf32>
      %max3A_618 = arith.maximumf %max3A_586, %max3A_602 : vector<1024x128xf32>
      %min3A_619 = arith.minimumf %max3A_586, %max3A_602 : vector<1024x128xf32>
      %max3A_620 = arith.maximumf %max3A_597, %min3A_619 : vector<1024x128xf32>
      %max3A_621 = arith.maximumf %max3A_620, %max3A_613 : vector<1024x128xf32>
      %min3A_622 = arith.minimumf %max3A_597, %max3A_602 : vector<1024x128xf32>
      %min3A_623 = arith.minimumf %max3A_586, %max3A_613 : vector<1024x128xf32>
      %max3A_624 = arith.maximumf %min3A_598, %min3A_622 : vector<1024x128xf32>
      %max3A_625 = arith.maximumf %max3A_624, %min3A_623 : vector<1024x128xf32>
      %max3A_626 = arith.maximumf %max3A_625, %min3A_614 : vector<1024x128xf32>
      %min3A_627 = arith.minimumf %min3A_598, %max3A_602 : vector<1024x128xf32>
      %min3A_628 = arith.minimumf %max3A_597, %max3A_613 : vector<1024x128xf32>
      %min3A_629 = arith.minimumf %max3A_586, %min3A_614 : vector<1024x128xf32>
      %max3A_630 = arith.maximumf %max3A_599, %min3A_627 : vector<1024x128xf32>
      %max3A_631 = arith.maximumf %max3A_630, %min3A_628 : vector<1024x128xf32>
      %max3A_632 = arith.maximumf %max3A_631, %min3A_629 : vector<1024x128xf32>
      %max3A_633 = arith.maximumf %max3A_632, %max3A_615 : vector<1024x128xf32>
      %min3A_634 = arith.minimumf %max3A_599, %max3A_602 : vector<1024x128xf32>
      %min3A_635 = arith.minimumf %min3A_598, %max3A_613 : vector<1024x128xf32>
      %min3A_636 = arith.minimumf %max3A_597, %min3A_614 : vector<1024x128xf32>
      %min3A_637 = arith.minimumf %max3A_586, %max3A_615 : vector<1024x128xf32>
      %max3A_638 = arith.maximumf %min3A_600, %min3A_634 : vector<1024x128xf32>
      %max3A_639 = arith.maximumf %max3A_638, %min3A_635 : vector<1024x128xf32>
      %max3A_640 = arith.maximumf %max3A_639, %min3A_636 : vector<1024x128xf32>
      %max3A_641 = arith.maximumf %max3A_640, %min3A_637 : vector<1024x128xf32>
      %max3A_642 = arith.maximumf %max3A_641, %min3A_616 : vector<1024x128xf32>
      %min3A_643 = arith.minimumf %min3A_600, %max3A_602 : vector<1024x128xf32>
      %min3A_644 = arith.minimumf %max3A_599, %max3A_613 : vector<1024x128xf32>
      %min3A_645 = arith.minimumf %min3A_598, %min3A_614 : vector<1024x128xf32>
      %min3A_646 = arith.minimumf %max3A_597, %max3A_615 : vector<1024x128xf32>
      %min3A_647 = arith.minimumf %max3A_586, %min3A_616 : vector<1024x128xf32>
      %max3A_648 = arith.maximumf %max3A_601, %min3A_643 : vector<1024x128xf32>
      %max3A_649 = arith.maximumf %max3A_648, %min3A_644 : vector<1024x128xf32>
      %max3A_650 = arith.maximumf %max3A_649, %min3A_645 : vector<1024x128xf32>
      %max3A_651 = arith.maximumf %max3A_650, %min3A_646 : vector<1024x128xf32>
      %max3A_652 = arith.maximumf %max3A_651, %min3A_647 : vector<1024x128xf32>
      %max3A_653 = arith.maximumf %max3A_652, %max3A_617 : vector<1024x128xf32>
      %max3A_654 = arith.maximumf %dot_general3A_256, %dot_general3A_261 : vector<1024x128xf32>
      %min3A_655 = arith.minimumf %dot_general3A_256, %dot_general3A_261 : vector<1024x128xf32>
      %max3A_656 = arith.maximumf %dot_general3A_266, %dot_general3A_271 : vector<1024x128xf32>
      %min3A_657 = arith.minimumf %dot_general3A_266, %dot_general3A_271 : vector<1024x128xf32>
      %max3A_658 = arith.maximumf %dot_general3A_276, %dot_general3A_281 : vector<1024x128xf32>
      %min3A_659 = arith.minimumf %dot_general3A_276, %dot_general3A_281 : vector<1024x128xf32>
      %max3A_660 = arith.maximumf %dot_general3A_286, %dot_general3A_291 : vector<1024x128xf32>
      %min3A_661 = arith.minimumf %dot_general3A_286, %dot_general3A_291 : vector<1024x128xf32>
      %max3A_662 = arith.maximumf %dot_general3A_296, %dot_general3A_301 : vector<1024x128xf32>
      %min3A_663 = arith.minimumf %dot_general3A_296, %dot_general3A_301 : vector<1024x128xf32>
      %max3A_664 = arith.maximumf %dot_general3A_306, %dot_general3A_311 : vector<1024x128xf32>
      %min3A_665 = arith.minimumf %dot_general3A_306, %dot_general3A_311 : vector<1024x128xf32>
      %max3A_666 = arith.maximumf %dot_general3A_316, %dot_general3A_321 : vector<1024x128xf32>
      %min3A_667 = arith.minimumf %dot_general3A_316, %dot_general3A_321 : vector<1024x128xf32>
      %max3A_668 = arith.maximumf %dot_general3A_326, %dot_general3A_331 : vector<1024x128xf32>
      %min3A_669 = arith.minimumf %dot_general3A_326, %dot_general3A_331 : vector<1024x128xf32>
      %max3A_670 = arith.maximumf %max3A_654, %max3A_656 : vector<1024x128xf32>
      %min3A_671 = arith.minimumf %max3A_654, %max3A_656 : vector<1024x128xf32>
      %max3A_672 = arith.maximumf %min3A_655, %min3A_657 : vector<1024x128xf32>
      %min3A_673 = arith.minimumf %min3A_655, %min3A_657 : vector<1024x128xf32>
      %max3A_674 = arith.maximumf %min3A_671, %max3A_672 : vector<1024x128xf32>
      %min3A_675 = arith.minimumf %min3A_671, %max3A_672 : vector<1024x128xf32>
      %max3A_676 = arith.maximumf %max3A_658, %max3A_660 : vector<1024x128xf32>
      %min3A_677 = arith.minimumf %max3A_658, %max3A_660 : vector<1024x128xf32>
      %max3A_678 = arith.maximumf %min3A_659, %min3A_661 : vector<1024x128xf32>
      %min3A_679 = arith.minimumf %min3A_659, %min3A_661 : vector<1024x128xf32>
      %max3A_680 = arith.maximumf %min3A_677, %max3A_678 : vector<1024x128xf32>
      %min3A_681 = arith.minimumf %min3A_677, %max3A_678 : vector<1024x128xf32>
      %max3A_682 = arith.maximumf %max3A_662, %max3A_664 : vector<1024x128xf32>
      %min3A_683 = arith.minimumf %max3A_662, %max3A_664 : vector<1024x128xf32>
      %max3A_684 = arith.maximumf %min3A_663, %min3A_665 : vector<1024x128xf32>
      %min3A_685 = arith.minimumf %min3A_663, %min3A_665 : vector<1024x128xf32>
      %max3A_686 = arith.maximumf %min3A_683, %max3A_684 : vector<1024x128xf32>
      %min3A_687 = arith.minimumf %min3A_683, %max3A_684 : vector<1024x128xf32>
      %max3A_688 = arith.maximumf %max3A_666, %max3A_668 : vector<1024x128xf32>
      %min3A_689 = arith.minimumf %max3A_666, %max3A_668 : vector<1024x128xf32>
      %max3A_690 = arith.maximumf %min3A_667, %min3A_669 : vector<1024x128xf32>
      %min3A_691 = arith.minimumf %min3A_667, %min3A_669 : vector<1024x128xf32>
      %max3A_692 = arith.maximumf %min3A_689, %max3A_690 : vector<1024x128xf32>
      %min3A_693 = arith.minimumf %min3A_689, %max3A_690 : vector<1024x128xf32>
      %max3A_694 = arith.maximumf %max3A_670, %max3A_676 : vector<1024x128xf32>
      %min3A_695 = arith.minimumf %max3A_670, %max3A_676 : vector<1024x128xf32>
      %max3A_696 = arith.maximumf %min3A_675, %min3A_681 : vector<1024x128xf32>
      %min3A_697 = arith.minimumf %min3A_675, %min3A_681 : vector<1024x128xf32>
      %max3A_698 = arith.maximumf %min3A_695, %max3A_696 : vector<1024x128xf32>
      %min3A_699 = arith.minimumf %min3A_695, %max3A_696 : vector<1024x128xf32>
      %max3A_700 = arith.maximumf %max3A_674, %max3A_680 : vector<1024x128xf32>
      %min3A_701 = arith.minimumf %max3A_674, %max3A_680 : vector<1024x128xf32>
      %max3A_702 = arith.maximumf %min3A_673, %min3A_679 : vector<1024x128xf32>
      %max3A_703 = arith.maximumf %min3A_701, %max3A_702 : vector<1024x128xf32>
      %min3A_704 = arith.minimumf %min3A_701, %max3A_702 : vector<1024x128xf32>
      %max3A_705 = arith.maximumf %max3A_698, %max3A_700 : vector<1024x128xf32>
      %min3A_706 = arith.minimumf %max3A_698, %max3A_700 : vector<1024x128xf32>
      %max3A_707 = arith.maximumf %min3A_699, %max3A_703 : vector<1024x128xf32>
      %min3A_708 = arith.minimumf %min3A_699, %max3A_703 : vector<1024x128xf32>
      %max3A_709 = arith.maximumf %min3A_697, %min3A_704 : vector<1024x128xf32>
      %max3A_710 = arith.maximumf %max3A_682, %max3A_688 : vector<1024x128xf32>
      %min3A_711 = arith.minimumf %max3A_682, %max3A_688 : vector<1024x128xf32>
      %max3A_712 = arith.maximumf %min3A_687, %min3A_693 : vector<1024x128xf32>
      %min3A_713 = arith.minimumf %min3A_687, %min3A_693 : vector<1024x128xf32>
      %max3A_714 = arith.maximumf %min3A_711, %max3A_712 : vector<1024x128xf32>
      %min3A_715 = arith.minimumf %min3A_711, %max3A_712 : vector<1024x128xf32>
      %max3A_716 = arith.maximumf %max3A_686, %max3A_692 : vector<1024x128xf32>
      %min3A_717 = arith.minimumf %max3A_686, %max3A_692 : vector<1024x128xf32>
      %max3A_718 = arith.maximumf %min3A_685, %min3A_691 : vector<1024x128xf32>
      %max3A_719 = arith.maximumf %min3A_717, %max3A_718 : vector<1024x128xf32>
      %min3A_720 = arith.minimumf %min3A_717, %max3A_718 : vector<1024x128xf32>
      %max3A_721 = arith.maximumf %max3A_714, %max3A_716 : vector<1024x128xf32>
      %min3A_722 = arith.minimumf %max3A_714, %max3A_716 : vector<1024x128xf32>
      %max3A_723 = arith.maximumf %min3A_715, %max3A_719 : vector<1024x128xf32>
      %min3A_724 = arith.minimumf %min3A_715, %max3A_719 : vector<1024x128xf32>
      %max3A_725 = arith.maximumf %min3A_713, %min3A_720 : vector<1024x128xf32>
      %max3A_726 = arith.maximumf %max3A_694, %max3A_710 : vector<1024x128xf32>
      %min3A_727 = arith.minimumf %max3A_694, %max3A_710 : vector<1024x128xf32>
      %max3A_728 = arith.maximumf %max3A_705, %min3A_727 : vector<1024x128xf32>
      %max3A_729 = arith.maximumf %max3A_728, %max3A_721 : vector<1024x128xf32>
      %min3A_730 = arith.minimumf %max3A_705, %max3A_710 : vector<1024x128xf32>
      %min3A_731 = arith.minimumf %max3A_694, %max3A_721 : vector<1024x128xf32>
      %max3A_732 = arith.maximumf %min3A_706, %min3A_730 : vector<1024x128xf32>
      %max3A_733 = arith.maximumf %max3A_732, %min3A_731 : vector<1024x128xf32>
      %max3A_734 = arith.maximumf %max3A_733, %min3A_722 : vector<1024x128xf32>
      %min3A_735 = arith.minimumf %min3A_706, %max3A_710 : vector<1024x128xf32>
      %min3A_736 = arith.minimumf %max3A_705, %max3A_721 : vector<1024x128xf32>
      %min3A_737 = arith.minimumf %max3A_694, %min3A_722 : vector<1024x128xf32>
      %max3A_738 = arith.maximumf %max3A_707, %min3A_735 : vector<1024x128xf32>
      %max3A_739 = arith.maximumf %max3A_738, %min3A_736 : vector<1024x128xf32>
      %max3A_740 = arith.maximumf %max3A_739, %min3A_737 : vector<1024x128xf32>
      %max3A_741 = arith.maximumf %max3A_740, %max3A_723 : vector<1024x128xf32>
      %min3A_742 = arith.minimumf %max3A_707, %max3A_710 : vector<1024x128xf32>
      %min3A_743 = arith.minimumf %min3A_706, %max3A_721 : vector<1024x128xf32>
      %min3A_744 = arith.minimumf %max3A_705, %min3A_722 : vector<1024x128xf32>
      %min3A_745 = arith.minimumf %max3A_694, %max3A_723 : vector<1024x128xf32>
      %max3A_746 = arith.maximumf %min3A_708, %min3A_742 : vector<1024x128xf32>
      %max3A_747 = arith.maximumf %max3A_746, %min3A_743 : vector<1024x128xf32>
      %max3A_748 = arith.maximumf %max3A_747, %min3A_744 : vector<1024x128xf32>
      %max3A_749 = arith.maximumf %max3A_748, %min3A_745 : vector<1024x128xf32>
      %max3A_750 = arith.maximumf %max3A_749, %min3A_724 : vector<1024x128xf32>
      %min3A_751 = arith.minimumf %min3A_708, %max3A_710 : vector<1024x128xf32>
      %min3A_752 = arith.minimumf %max3A_707, %max3A_721 : vector<1024x128xf32>
      %min3A_753 = arith.minimumf %min3A_706, %min3A_722 : vector<1024x128xf32>
      %min3A_754 = arith.minimumf %max3A_705, %max3A_723 : vector<1024x128xf32>
      %min3A_755 = arith.minimumf %max3A_694, %min3A_724 : vector<1024x128xf32>
      %max3A_756 = arith.maximumf %max3A_709, %min3A_751 : vector<1024x128xf32>
      %max3A_757 = arith.maximumf %max3A_756, %min3A_752 : vector<1024x128xf32>
      %max3A_758 = arith.maximumf %max3A_757, %min3A_753 : vector<1024x128xf32>
      %max3A_759 = arith.maximumf %max3A_758, %min3A_754 : vector<1024x128xf32>
      %max3A_760 = arith.maximumf %max3A_759, %min3A_755 : vector<1024x128xf32>
      %max3A_761 = arith.maximumf %max3A_760, %max3A_725 : vector<1024x128xf32>
      %max3A_762 = arith.maximumf %max3A_618, %max3A_726 : vector<1024x128xf32>
      %min3A_763 = arith.minimumf %max3A_618, %max3A_726 : vector<1024x128xf32>
      %max3A_764 = arith.maximumf %max3A_621, %min3A_763 : vector<1024x128xf32>
      %max3A_765 = arith.maximumf %max3A_764, %max3A_729 : vector<1024x128xf32>
      %min3A_766 = arith.minimumf %max3A_621, %max3A_726 : vector<1024x128xf32>
      %min3A_767 = arith.minimumf %max3A_618, %max3A_729 : vector<1024x128xf32>
      %max3A_768 = arith.maximumf %max3A_626, %min3A_766 : vector<1024x128xf32>
      %max3A_769 = arith.maximumf %max3A_768, %min3A_767 : vector<1024x128xf32>
      %max3A_770 = arith.maximumf %max3A_769, %max3A_734 : vector<1024x128xf32>
      %min3A_771 = arith.minimumf %max3A_626, %max3A_726 : vector<1024x128xf32>
      %min3A_772 = arith.minimumf %max3A_621, %max3A_729 : vector<1024x128xf32>
      %min3A_773 = arith.minimumf %max3A_618, %max3A_734 : vector<1024x128xf32>
      %max3A_774 = arith.maximumf %max3A_633, %min3A_771 : vector<1024x128xf32>
      %max3A_775 = arith.maximumf %max3A_774, %min3A_772 : vector<1024x128xf32>
      %max3A_776 = arith.maximumf %max3A_775, %min3A_773 : vector<1024x128xf32>
      %max3A_777 = arith.maximumf %max3A_776, %max3A_741 : vector<1024x128xf32>
      %min3A_778 = arith.minimumf %max3A_633, %max3A_726 : vector<1024x128xf32>
      %min3A_779 = arith.minimumf %max3A_626, %max3A_729 : vector<1024x128xf32>
      %min3A_780 = arith.minimumf %max3A_621, %max3A_734 : vector<1024x128xf32>
      %min3A_781 = arith.minimumf %max3A_618, %max3A_741 : vector<1024x128xf32>
      %max3A_782 = arith.maximumf %max3A_642, %min3A_778 : vector<1024x128xf32>
      %max3A_783 = arith.maximumf %max3A_782, %min3A_779 : vector<1024x128xf32>
      %max3A_784 = arith.maximumf %max3A_783, %min3A_780 : vector<1024x128xf32>
      %max3A_785 = arith.maximumf %max3A_784, %min3A_781 : vector<1024x128xf32>
      %max3A_786 = arith.maximumf %max3A_785, %max3A_750 : vector<1024x128xf32>
      %min3A_787 = arith.minimumf %max3A_642, %max3A_726 : vector<1024x128xf32>
      %min3A_788 = arith.minimumf %max3A_633, %max3A_729 : vector<1024x128xf32>
      %min3A_789 = arith.minimumf %max3A_626, %max3A_734 : vector<1024x128xf32>
      %min3A_790 = arith.minimumf %max3A_621, %max3A_741 : vector<1024x128xf32>
      %min3A_791 = arith.minimumf %max3A_618, %max3A_750 : vector<1024x128xf32>
      %max3A_792 = arith.maximumf %max3A_653, %min3A_787 : vector<1024x128xf32>
      %max3A_793 = arith.maximumf %max3A_792, %min3A_788 : vector<1024x128xf32>
      %max3A_794 = arith.maximumf %max3A_793, %min3A_789 : vector<1024x128xf32>
      %max3A_795 = arith.maximumf %max3A_794, %min3A_790 : vector<1024x128xf32>
      %max3A_796 = arith.maximumf %max3A_795, %min3A_791 : vector<1024x128xf32>
      %max3A_797 = arith.maximumf %max3A_796, %max3A_761 : vector<1024x128xf32>
      %max3A_798 = arith.maximumf %max3A_510, %max3A_762 : vector<1024x128xf32>
      %min3A_799 = arith.minimumf %max3A_510, %max3A_762 : vector<1024x128xf32>
      %max3A_800 = arith.maximumf %max3A_513, %min3A_799 : vector<1024x128xf32>
      %max3A_801 = arith.maximumf %max3A_800, %max3A_765 : vector<1024x128xf32>
      %min3A_802 = arith.minimumf %max3A_513, %max3A_762 : vector<1024x128xf32>
      %min3A_803 = arith.minimumf %max3A_510, %max3A_765 : vector<1024x128xf32>
      %max3A_804 = arith.maximumf %max3A_518, %min3A_802 : vector<1024x128xf32>
      %max3A_805 = arith.maximumf %max3A_804, %min3A_803 : vector<1024x128xf32>
      %max3A_806 = arith.maximumf %max3A_805, %max3A_770 : vector<1024x128xf32>
      %min3A_807 = arith.minimumf %max3A_518, %max3A_762 : vector<1024x128xf32>
      %min3A_808 = arith.minimumf %max3A_513, %max3A_765 : vector<1024x128xf32>
      %min3A_809 = arith.minimumf %max3A_510, %max3A_770 : vector<1024x128xf32>
      %max3A_810 = arith.maximumf %max3A_525, %min3A_807 : vector<1024x128xf32>
      %max3A_811 = arith.maximumf %max3A_810, %min3A_808 : vector<1024x128xf32>
      %max3A_812 = arith.maximumf %max3A_811, %min3A_809 : vector<1024x128xf32>
      %max3A_813 = arith.maximumf %max3A_812, %max3A_777 : vector<1024x128xf32>
      %min3A_814 = arith.minimumf %max3A_525, %max3A_762 : vector<1024x128xf32>
      %min3A_815 = arith.minimumf %max3A_518, %max3A_765 : vector<1024x128xf32>
      %min3A_816 = arith.minimumf %max3A_513, %max3A_770 : vector<1024x128xf32>
      %min3A_817 = arith.minimumf %max3A_510, %max3A_777 : vector<1024x128xf32>
      %max3A_818 = arith.maximumf %max3A_534, %min3A_814 : vector<1024x128xf32>
      %max3A_819 = arith.maximumf %max3A_818, %min3A_815 : vector<1024x128xf32>
      %max3A_820 = arith.maximumf %max3A_819, %min3A_816 : vector<1024x128xf32>
      %max3A_821 = arith.maximumf %max3A_820, %min3A_817 : vector<1024x128xf32>
      %max3A_822 = arith.maximumf %max3A_821, %max3A_786 : vector<1024x128xf32>
      %min3A_823 = arith.minimumf %max3A_534, %max3A_762 : vector<1024x128xf32>
      %min3A_824 = arith.minimumf %max3A_525, %max3A_765 : vector<1024x128xf32>
      %min3A_825 = arith.minimumf %max3A_518, %max3A_770 : vector<1024x128xf32>
      %min3A_826 = arith.minimumf %max3A_513, %max3A_777 : vector<1024x128xf32>
      %min3A_827 = arith.minimumf %max3A_510, %max3A_786 : vector<1024x128xf32>
      %max3A_828 = arith.maximumf %max3A_545, %min3A_823 : vector<1024x128xf32>
      %max3A_829 = arith.maximumf %max3A_828, %min3A_824 : vector<1024x128xf32>
      %max3A_830 = arith.maximumf %max3A_829, %min3A_825 : vector<1024x128xf32>
      %max3A_831 = arith.maximumf %max3A_830, %min3A_826 : vector<1024x128xf32>
      %max3A_832 = arith.maximumf %max3A_831, %min3A_827 : vector<1024x128xf32>
      %max3A_833 = arith.maximumf %max3A_832, %max3A_797 : vector<1024x128xf32>
      %max3A_834 = arith.maximumf %max3A_402, %max3A_798 : vector<1024x128xf32>
      %min3A_835 = arith.minimumf %max3A_402, %max3A_798 : vector<1024x128xf32>
      %max3A_836 = arith.maximumf %max3A_405, %min3A_835 : vector<1024x128xf32>
      %max3A_837 = arith.maximumf %max3A_836, %max3A_801 : vector<1024x128xf32>
      %min3A_838 = arith.minimumf %max3A_405, %max3A_798 : vector<1024x128xf32>
      %min3A_839 = arith.minimumf %max3A_402, %max3A_801 : vector<1024x128xf32>
      %max3A_840 = arith.maximumf %max3A_410, %min3A_838 : vector<1024x128xf32>
      %max3A_841 = arith.maximumf %max3A_840, %min3A_839 : vector<1024x128xf32>
      %max3A_842 = arith.maximumf %max3A_841, %max3A_806 : vector<1024x128xf32>
      %min3A_843 = arith.minimumf %max3A_410, %max3A_798 : vector<1024x128xf32>
      %min3A_844 = arith.minimumf %max3A_405, %max3A_801 : vector<1024x128xf32>
      %min3A_845 = arith.minimumf %max3A_402, %max3A_806 : vector<1024x128xf32>
      %max3A_846 = arith.maximumf %max3A_417, %min3A_843 : vector<1024x128xf32>
      %max3A_847 = arith.maximumf %max3A_846, %min3A_844 : vector<1024x128xf32>
      %max3A_848 = arith.maximumf %max3A_847, %min3A_845 : vector<1024x128xf32>
      %max3A_849 = arith.maximumf %max3A_848, %max3A_813 : vector<1024x128xf32>
      %min3A_850 = arith.minimumf %max3A_417, %max3A_798 : vector<1024x128xf32>
      %min3A_851 = arith.minimumf %max3A_410, %max3A_801 : vector<1024x128xf32>
      %min3A_852 = arith.minimumf %max3A_405, %max3A_806 : vector<1024x128xf32>
      %min3A_853 = arith.minimumf %max3A_402, %max3A_813 : vector<1024x128xf32>
      %max3A_854 = arith.maximumf %max3A_426, %min3A_850 : vector<1024x128xf32>
      %max3A_855 = arith.maximumf %max3A_854, %min3A_851 : vector<1024x128xf32>
      %max3A_856 = arith.maximumf %max3A_855, %min3A_852 : vector<1024x128xf32>
      %max3A_857 = arith.maximumf %max3A_856, %min3A_853 : vector<1024x128xf32>
      %max3A_858 = arith.maximumf %max3A_857, %max3A_822 : vector<1024x128xf32>
      %min3A_859 = arith.minimumf %max3A_426, %max3A_798 : vector<1024x128xf32>
      %min3A_860 = arith.minimumf %max3A_417, %max3A_801 : vector<1024x128xf32>
      %min3A_861 = arith.minimumf %max3A_410, %max3A_806 : vector<1024x128xf32>
      %min3A_862 = arith.minimumf %max3A_405, %max3A_813 : vector<1024x128xf32>
      %min3A_863 = arith.minimumf %max3A_402, %max3A_822 : vector<1024x128xf32>
      %max3A_864 = arith.maximumf %max3A_437, %min3A_859 : vector<1024x128xf32>
      %max3A_865 = arith.maximumf %max3A_864, %min3A_860 : vector<1024x128xf32>
      %max3A_866 = arith.maximumf %max3A_865, %min3A_861 : vector<1024x128xf32>
      %max3A_867 = arith.maximumf %max3A_866, %min3A_862 : vector<1024x128xf32>
      %max3A_868 = arith.maximumf %max3A_867, %min3A_863 : vector<1024x128xf32>
      %max3A_869 = arith.maximumf %max3A_868, %max3A_833 : vector<1024x128xf32>
      %get3A_870 = arith.constant 0 : index
      %get3A_871 = arith.constant 0 : index
      %get3A_872 = vector.load %arg5[%get3A_870, %get3A_871] : memref<1024x768xf32, #tpu.memory_space<vmem>>, vector<1024x128xf32>
      %get3A_873 = arith.constant 0 : index
      %get3A_874 = arith.constant 128 : index
      %get3A_875 = vector.load %arg5[%get3A_873, %get3A_874] : memref<1024x768xf32, #tpu.memory_space<vmem>>, vector<1024x128xf32>
      %get3A_876 = arith.constant 0 : index
      %get3A_877 = arith.constant 256 : index
      %get3A_878 = vector.load %arg5[%get3A_876, %get3A_877] : memref<1024x768xf32, #tpu.memory_space<vmem>>, vector<1024x128xf32>
      %get3A_879 = arith.constant 0 : index
      %get3A_880 = arith.constant 384 : index
      %get3A_881 = vector.load %arg5[%get3A_879, %get3A_880] : memref<1024x768xf32, #tpu.memory_space<vmem>>, vector<1024x128xf32>
      %get3A_882 = arith.constant 0 : index
      %get3A_883 = arith.constant 512 : index
      %get3A_884 = vector.load %arg5[%get3A_882, %get3A_883] : memref<1024x768xf32, #tpu.memory_space<vmem>>, vector<1024x128xf32>
      %get3A_885 = arith.constant 0 : index
      %get3A_886 = arith.constant 640 : index
      %get3A_887 = vector.load %arg5[%get3A_885, %get3A_886] : memref<1024x768xf32, #tpu.memory_space<vmem>>, vector<1024x128xf32>
      %max3A_888 = arith.maximumf %get3A_872, %max3A_834 : vector<1024x128xf32>
      %min3A_889 = arith.minimumf %get3A_872, %max3A_834 : vector<1024x128xf32>
      %max3A_890 = arith.maximumf %get3A_875, %min3A_889 : vector<1024x128xf32>
      %max3A_891 = arith.maximumf %max3A_890, %max3A_837 : vector<1024x128xf32>
      %min3A_892 = arith.minimumf %get3A_875, %max3A_834 : vector<1024x128xf32>
      %min3A_893 = arith.minimumf %get3A_872, %max3A_837 : vector<1024x128xf32>
      %max3A_894 = arith.maximumf %get3A_878, %min3A_892 : vector<1024x128xf32>
      %max3A_895 = arith.maximumf %max3A_894, %min3A_893 : vector<1024x128xf32>
      %max3A_896 = arith.maximumf %max3A_895, %max3A_842 : vector<1024x128xf32>
      %min3A_897 = arith.minimumf %get3A_878, %max3A_834 : vector<1024x128xf32>
      %min3A_898 = arith.minimumf %get3A_875, %max3A_837 : vector<1024x128xf32>
      %min3A_899 = arith.minimumf %get3A_872, %max3A_842 : vector<1024x128xf32>
      %max3A_900 = arith.maximumf %get3A_881, %min3A_897 : vector<1024x128xf32>
      %max3A_901 = arith.maximumf %max3A_900, %min3A_898 : vector<1024x128xf32>
      %max3A_902 = arith.maximumf %max3A_901, %min3A_899 : vector<1024x128xf32>
      %max3A_903 = arith.maximumf %max3A_902, %max3A_849 : vector<1024x128xf32>
      %min3A_904 = arith.minimumf %get3A_881, %max3A_834 : vector<1024x128xf32>
      %min3A_905 = arith.minimumf %get3A_878, %max3A_837 : vector<1024x128xf32>
      %min3A_906 = arith.minimumf %get3A_875, %max3A_842 : vector<1024x128xf32>
      %min3A_907 = arith.minimumf %get3A_872, %max3A_849 : vector<1024x128xf32>
      %max3A_908 = arith.maximumf %get3A_884, %min3A_904 : vector<1024x128xf32>
      %max3A_909 = arith.maximumf %max3A_908, %min3A_905 : vector<1024x128xf32>
      %max3A_910 = arith.maximumf %max3A_909, %min3A_906 : vector<1024x128xf32>
      %max3A_911 = arith.maximumf %max3A_910, %min3A_907 : vector<1024x128xf32>
      %max3A_912 = arith.maximumf %max3A_911, %max3A_858 : vector<1024x128xf32>
      %min3A_913 = arith.minimumf %get3A_884, %max3A_834 : vector<1024x128xf32>
      %min3A_914 = arith.minimumf %get3A_881, %max3A_837 : vector<1024x128xf32>
      %min3A_915 = arith.minimumf %get3A_878, %max3A_842 : vector<1024x128xf32>
      %min3A_916 = arith.minimumf %get3A_875, %max3A_849 : vector<1024x128xf32>
      %min3A_917 = arith.minimumf %get3A_872, %max3A_858 : vector<1024x128xf32>
      %max3A_918 = arith.maximumf %get3A_887, %min3A_913 : vector<1024x128xf32>
      %max3A_919 = arith.maximumf %max3A_918, %min3A_914 : vector<1024x128xf32>
      %max3A_920 = arith.maximumf %max3A_919, %min3A_915 : vector<1024x128xf32>
      %max3A_921 = arith.maximumf %max3A_920, %min3A_916 : vector<1024x128xf32>
      %max3A_922 = arith.maximumf %max3A_921, %min3A_917 : vector<1024x128xf32>
      %max3A_923 = arith.maximumf %max3A_922, %max3A_869 : vector<1024x128xf32>
      %swap3A = arith.constant 0 : index
      %swap3A_924 = arith.constant 0 : index
      %swap3A_925 = vector.load %arg5[%swap3A, %swap3A_924] : memref<1024x768xf32, #tpu.memory_space<vmem>>, vector<1024x128xf32>
      tpu.vector_store %arg5[%swap3A, %swap3A_924], %max3A_888 {strides = array<i32>} : memref<1024x768xf32, #tpu.memory_space<vmem>>, vector<1024x128xf32>,
      %swap3A_926 = arith.constant 0 : index
      %swap3A_927 = arith.constant 128 : index
      %swap3A_928 = vector.load %arg5[%swap3A_926, %swap3A_927] : memref<1024x768xf32, #tpu.memory_space<vmem>>, vector<1024x128xf32>
      tpu.vector_store %arg5[%swap3A_926, %swap3A_927], %max3A_891 {strides = array<i32>} : memref<1024x768xf32, #tpu.memory_space<vmem>>, vector<1024x128xf32>,
      %swap3A_929 = arith.constant 0 : index
      %swap3A_930 = arith.constant 256 : index
      %swap3A_931 = vector.load %arg5[%swap3A_929, %swap3A_930] : memref<1024x768xf32, #tpu.memory_space<vmem>>, vector<1024x128xf32>
      tpu.vector_store %arg5[%swap3A_929, %swap3A_930], %max3A_896 {strides = array<i32>} : memref<1024x768xf32, #tpu.memory_space<vmem>>, vector<1024x128xf32>,
      %swap3A_932 = arith.constant 0 : index
      %swap3A_933 = arith.constant 384 : index
      %swap3A_934 = vector.load %arg5[%swap3A_932, %swap3A_933] : memref<1024x768xf32, #tpu.memory_space<vmem>>, vector<1024x128xf32>
      tpu.vector_store %arg5[%swap3A_932, %swap3A_933], %max3A_903 {strides = array<i32>} : memref<1024x768xf32, #tpu.memory_space<vmem>>, vector<1024x128xf32>,
      %swap3A_935 = arith.constant 0 : index
      %swap3A_936 = arith.constant 512 : index
      %swap3A_937 = vector.load %arg5[%swap3A_935, %swap3A_936] : memref<1024x768xf32, #tpu.memory_space<vmem>>, vector<1024x128xf32>
      tpu.vector_store %arg5[%swap3A_935, %swap3A_936], %max3A_912 {strides = array<i32>} : memref<1024x768xf32, #tpu.memory_space<vmem>>, vector<1024x128xf32>,
      %swap3A_938 = arith.constant 0 : index
      %swap3A_939 = arith.constant 640 : index
      %swap3A_940 = vector.load %arg5[%swap3A_938, %swap3A_939] : memref<1024x768xf32, #tpu.memory_space<vmem>>, vector<1024x128xf32>
      tpu.vector_store %arg5[%swap3A_938, %swap3A_939], %max3A_923 {strides = array<i32>} : memref<1024x768xf32, #tpu.memory_space<vmem>>, vector<1024x128xf32>,
      %get3A_941 = arith.constant 0 : index
      %get3A_942 = arith.constant 0 : index
      %get3A_943 = vector.load %arg6[%get3A_941, %get3A_942] : memref<1024x128xf32, #tpu.memory_space<vmem>>, vector<1024x128xf32>
      %sub3A = arith.subf %get3A_872, %max3A_888 : vector<1024x128xf32>
      %exp23A = math.exp2 %sub3A : vector<1024x128xf32>
      %mul3A = arith.mulf %get3A_943, %exp23A : vector<1024x128xf32>
      %get3A_944 = arith.constant 0 : index
      %get3A_945 = arith.constant 0 : index
      %get3A_946 = vector.load %arg2[%get3A_944, %get3A_945] : memref<8192x128xf32, #tpu.memory_space<vmem>>, vector<128x128xf32>
      %dot_general3A_947 = arith.constant dense<0.000000e+00> : vector<1024x128xf32>
      %dot_general3A_948 = tpu.matmul %get3A_3, %get3A_946, %dot_general3A_947 {dimension_numbers = #tpu.dot_dimension_numbers<[1], [1], [0], [0], [0, 0, 1, 0], [], []>, transpose_lhs_hint = false} : vector<1024x128xf32>, vector<128x128xf32>, vector<1024x128xf32> -> vector<1024x128xf32>
      %sub3A_949 = arith.subf %dot_general3A_948, %max3A_888 : vector<1024x128xf32>
      %exp23A_950 = math.exp2 %sub3A_949 : vector<1024x128xf32>
      %add3A = arith.addf %mul3A, %exp23A_950 : vector<1024x128xf32>
      %get3A_951 = arith.constant 128 : index
      %get3A_952 = arith.constant 0 : index
      %get3A_953 = vector.load %arg2[%get3A_951, %get3A_952] : memref<8192x128xf32, #tpu.memory_space<vmem>>, vector<128x128xf32>
      %dot_general3A_954 = arith.constant dense<0.000000e+00> : vector<1024x128xf32>
      %dot_general3A_955 = tpu.matmul %get3A_3, %get3A_953, %dot_general3A_954 {dimension_numbers = #tpu.dot_dimension_numbers<[1], [1], [0], [0], [0, 0, 1, 0], [], []>, transpose_lhs_hint = false} : vector<1024x128xf32>, vector<128x128xf32>, vector<1024x128xf32> -> vector<1024x128xf32>
      %sub3A_956 = arith.subf %dot_general3A_955, %max3A_888 : vector<1024x128xf32>
      %exp23A_957 = math.exp2 %sub3A_956 : vector<1024x128xf32>
      %add3A_958 = arith.addf %add3A, %exp23A_957 : vector<1024x128xf32>
      %get3A_959 = arith.constant 256 : index
      %get3A_960 = arith.constant 0 : index
      %get3A_961 = vector.load %arg2[%get3A_959, %get3A_960] : memref<8192x128xf32, #tpu.memory_space<vmem>>, vector<128x128xf32>
      %dot_general3A_962 = arith.constant dense<0.000000e+00> : vector<1024x128xf32>
      %dot_general3A_963 = tpu.matmul %get3A_3, %get3A_961, %dot_general3A_962 {dimension_numbers = #tpu.dot_dimension_numbers<[1], [1], [0], [0], [0, 0, 1, 0], [], []>, transpose_lhs_hint = false} : vector<1024x128xf32>, vector<128x128xf32>, vector<1024x128xf32> -> vector<1024x128xf32>
      %sub3A_964 = arith.subf %dot_general3A_963, %max3A_888 : vector<1024x128xf32>
      %exp23A_965 = math.exp2 %sub3A_964 : vector<1024x128xf32>
      %add3A_966 = arith.addf %add3A_958, %exp23A_965 : vector<1024x128xf32>
      %get3A_967 = arith.constant 384 : index
      %get3A_968 = arith.constant 0 : index
      %get3A_969 = vector.load %arg2[%get3A_967, %get3A_968] : memref<8192x128xf32, #tpu.memory_space<vmem>>, vector<128x128xf32>
      %dot_general3A_970 = arith.constant dense<0.000000e+00> : vector<1024x128xf32>
      %dot_general3A_971 = tpu.matmul %get3A_3, %get3A_969, %dot_general3A_970 {dimension_numbers = #tpu.dot_dimension_numbers<[1], [1], [0], [0], [0, 0, 1, 0], [], []>, transpose_lhs_hint = false} : vector<1024x128xf32>, vector<128x128xf32>, vector<1024x128xf32> -> vector<1024x128xf32>
      %sub3A_972 = arith.subf %dot_general3A_971, %max3A_888 : vector<1024x128xf32>
      %exp23A_973 = math.exp2 %sub3A_972 : vector<1024x128xf32>
      %add3A_974 = arith.addf %add3A_966, %exp23A_973 : vector<1024x128xf32>
      %get3A_975 = arith.constant 512 : index
      %get3A_976 = arith.constant 0 : index
      %get3A_977 = vector.load %arg2[%get3A_975, %get3A_976] : memref<8192x128xf32, #tpu.memory_space<vmem>>, vector<128x128xf32>
      %dot_general3A_978 = arith.constant dense<0.000000e+00> : vector<1024x128xf32>
      %dot_general3A_979 = tpu.matmul %get3A_3, %get3A_977, %dot_general3A_978 {dimension_numbers = #tpu.dot_dimension_numbers<[1], [1], [0], [0], [0, 0, 1, 0], [], []>, transpose_lhs_hint = false} : vector<1024x128xf32>, vector<128x128xf32>, vector<1024x128xf32> -> vector<1024x128xf32>
      %sub3A_980 = arith.subf %dot_general3A_979, %max3A_888 : vector<1024x128xf32>
      %exp23A_981 = math.exp2 %sub3A_980 : vector<1024x128xf32>
      %add3A_982 = arith.addf %add3A_974, %exp23A_981 : vector<1024x128xf32>
      %get3A_983 = arith.constant 640 : index
      %get3A_984 = arith.constant 0 : index
      %get3A_985 = vector.load %arg2[%get3A_983, %get3A_984] : memref<8192x128xf32, #tpu.memory_space<vmem>>, vector<128x128xf32>
      %dot_general3A_986 = arith.constant dense<0.000000e+00> : vector<1024x128xf32>
      %dot_general3A_987 = tpu.matmul %get3A_3, %get3A_985, %dot_general3A_986 {dimension_numbers = #tpu.dot_dimension_numbers<[1], [1], [0], [0], [0, 0, 1, 0], [], []>, transpose_lhs_hint = false} : vector<1024x128xf32>, vector<128x128xf32>, vector<1024x128xf32> -> vector<1024x128xf32>
      %sub3A_988 = arith.subf %dot_general3A_987, %max3A_888 : vector<1024x128xf32>
      %exp23A_989 = math.exp2 %sub3A_988 : vector<1024x128xf32>
      %add3A_990 = arith.addf %add3A_982, %exp23A_989 : vector<1024x128xf32>
      %get3A_991 = arith.constant 768 : index
      %get3A_992 = arith.constant 0 : index
      %get3A_993 = vector.load %arg2[%get3A_991, %get3A_992] : memref<8192x128xf32, #tpu.memory_space<vmem>>, vector<128x128xf32>
      %dot_general3A_994 = arith.constant dense<0.000000e+00> : vector<1024x128xf32>
      %dot_general3A_995 = tpu.matmul %get3A_3, %get3A_993, %dot_general3A_994 {dimension_numbers = #tpu.dot_dimension_numbers<[1], [1], [0], [0], [0, 0, 1, 0], [], []>, transpose_lhs_hint = false} : vector<1024x128xf32>, vector<128x128xf32>, vector<1024x128xf32> -> vector<1024x128xf32>
      %sub3A_996 = arith.subf %dot_general3A_995, %max3A_888 : vector<1024x128xf32>
      %exp23A_997 = math.exp2 %sub3A_996 : vector<1024x128xf32>
      %add3A_998 = arith.addf %add3A_990, %exp23A_997 : vector<1024x128xf32>
      %get3A_999 = arith.constant 896 : index
      %get3A_1000 = arith.constant 0 : index
      %get3A_1001 = vector.load %arg2[%get3A_999, %get3A_1000] : memref<8192x128xf32, #tpu.memory_space<vmem>>, vector<128x128xf32>
      %dot_general3A_1002 = arith.constant dense<0.000000e+00> : vector<1024x128xf32>
      %dot_general3A_1003 = tpu.matmul %get3A_3, %get3A_1001, %dot_general3A_1002 {dimension_numbers = #tpu.dot_dimension_numbers<[1], [1], [0], [0], [0, 0, 1, 0], [], []>, transpose_lhs_hint = false} : vector<1024x128xf32>, vector<128x128xf32>, vector<1024x128xf32> -> vector<1024x128xf32>
      %sub3A_1004 = arith.subf %dot_general3A_1003, %max3A_888 : vector<1024x128xf32>
      %exp23A_1005 = math.exp2 %sub3A_1004 : vector<1024x128xf32>
      %add3A_1006 = arith.addf %add3A_998, %exp23A_1005 : vector<1024x128xf32>
      %get3A_1007 = arith.constant 1024 : index
      %get3A_1008 = arith.constant 0 : index
      %get3A_1009 = vector.load %arg2[%get3A_1007, %get3A_1008] : memref<8192x128xf32, #tpu.memory_space<vmem>>, vector<128x128xf32>
      %dot_general3A_1010 = arith.constant dense<0.000000e+00> : vector<1024x128xf32>
      %dot_general3A_1011 = tpu.matmul %get3A_3, %get3A_1009, %dot_general3A_1010 {dimension_numbers = #tpu.dot_dimension_numbers<[1], [1], [0], [0], [0, 0, 1, 0], [], []>, transpose_lhs_hint = false} : vector<1024x128xf32>, vector<128x128xf32>, vector<1024x128xf32> -> vector<1024x128xf32>
      %sub3A_1012 = arith.subf %dot_general3A_1011, %max3A_888 : vector<1024x128xf32>
      %exp23A_1013 = math.exp2 %sub3A_1012 : vector<1024x128xf32>
      %add3A_1014 = arith.addf %add3A_1006, %exp23A_1013 : vector<1024x128xf32>
      %get3A_1015 = arith.constant 1152 : index
      %get3A_1016 = arith.constant 0 : index
      %get3A_1017 = vector.load %arg2[%get3A_1015, %get3A_1016] : memref<8192x128xf32, #tpu.memory_space<vmem>>, vector<128x128xf32>
      %dot_general3A_1018 = arith.constant dense<0.000000e+00> : vector<1024x128xf32>
      %dot_general3A_1019 = tpu.matmul %get3A_3, %get3A_1017, %dot_general3A_1018 {dimension_numbers = #tpu.dot_dimension_numbers<[1], [1], [0], [0], [0, 0, 1, 0], [], []>, transpose_lhs_hint = false} : vector<1024x128xf32>, vector<128x128xf32>, vector<1024x128xf32> -> vector<1024x128xf32>
      %sub3A_1020 = arith.subf %dot_general3A_1019, %max3A_888 : vector<1024x128xf32>
      %exp23A_1021 = math.exp2 %sub3A_1020 : vector<1024x128xf32>
      %add3A_1022 = arith.addf %add3A_1014, %exp23A_1021 : vector<1024x128xf32>
      %get3A_1023 = arith.constant 1280 : index
      %get3A_1024 = arith.constant 0 : index
      %get3A_1025 = vector.load %arg2[%get3A_1023, %get3A_1024] : memref<8192x128xf32, #tpu.memory_space<vmem>>, vector<128x128xf32>
      %dot_general3A_1026 = arith.constant dense<0.000000e+00> : vector<1024x128xf32>
      %dot_general3A_1027 = tpu.matmul %get3A_3, %get3A_1025, %dot_general3A_1026 {dimension_numbers = #tpu.dot_dimension_numbers<[1], [1], [0], [0], [0, 0, 1, 0], [], []>, transpose_lhs_hint = false} : vector<1024x128xf32>, vector<128x128xf32>, vector<1024x128xf32> -> vector<1024x128xf32>
      %sub3A_1028 = arith.subf %dot_general3A_1027, %max3A_888 : vector<1024x128xf32>
      %exp23A_1029 = math.exp2 %sub3A_1028 : vector<1024x128xf32>
      %add3A_1030 = arith.addf %add3A_1022, %exp23A_1029 : vector<1024x128xf32>
      %get3A_1031 = arith.constant 1408 : index
      %get3A_1032 = arith.constant 0 : index
      %get3A_1033 = vector.load %arg2[%get3A_1031, %get3A_1032] : memref<8192x128xf32, #tpu.memory_space<vmem>>, vector<128x128xf32>
      %dot_general3A_1034 = arith.constant dense<0.000000e+00> : vector<1024x128xf32>
      %dot_general3A_1035 = tpu.matmul %get3A_3, %get3A_1033, %dot_general3A_1034 {dimension_numbers = #tpu.dot_dimension_numbers<[1], [1], [0], [0], [0, 0, 1, 0], [], []>, transpose_lhs_hint = false} : vector<1024x128xf32>, vector<128x128xf32>, vector<1024x128xf32> -> vector<1024x128xf32>
      %sub3A_1036 = arith.subf %dot_general3A_1035, %max3A_888 : vector<1024x128xf32>
      %exp23A_1037 = math.exp2 %sub3A_1036 : vector<1024x128xf32>
      %add3A_1038 = arith.addf %add3A_1030, %exp23A_1037 : vector<1024x128xf32>
      %get3A_1039 = arith.constant 1536 : index
      %get3A_1040 = arith.constant 0 : index
      %get3A_1041 = vector.load %arg2[%get3A_1039, %get3A_1040] : memref<8192x128xf32, #tpu.memory_space<vmem>>, vector<128x128xf32>
      %dot_general3A_1042 = arith.constant dense<0.000000e+00> : vector<1024x128xf32>
      %dot_general3A_1043 = tpu.matmul %get3A_3, %get3A_1041, %dot_general3A_1042 {dimension_numbers = #tpu.dot_dimension_numbers<[1], [1], [0], [0], [0, 0, 1, 0], [], []>, transpose_lhs_hint = false} : vector<1024x128xf32>, vector<128x128xf32>, vector<1024x128xf32> -> vector<1024x128xf32>
      %sub3A_1044 = arith.subf %dot_general3A_1043, %max3A_888 : vector<1024x128xf32>
      %exp23A_1045 = math.exp2 %sub3A_1044 : vector<1024x128xf32>
      %add3A_1046 = arith.addf %add3A_1038, %exp23A_1045 : vector<1024x128xf32>
      %get3A_1047 = arith.constant 1664 : index
      %get3A_1048 = arith.constant 0 : index
      %get3A_1049 = vector.load %arg2[%get3A_1047, %get3A_1048] : memref<8192x128xf32, #tpu.memory_space<vmem>>, vector<128x128xf32>
      %dot_general3A_1050 = arith.constant dense<0.000000e+00> : vector<1024x128xf32>
      %dot_general3A_1051 = tpu.matmul %get3A_3, %get3A_1049, %dot_general3A_1050 {dimension_numbers = #tpu.dot_dimension_numbers<[1], [1], [0], [0], [0, 0, 1, 0], [], []>, transpose_lhs_hint = false} : vector<1024x128xf32>, vector<128x128xf32>, vector<1024x128xf32> -> vector<1024x128xf32>
      %sub3A_1052 = arith.subf %dot_general3A_1051, %max3A_888 : vector<1024x128xf32>
      %exp23A_1053 = math.exp2 %sub3A_1052 : vector<1024x128xf32>
      %add3A_1054 = arith.addf %add3A_1046, %exp23A_1053 : vector<1024x128xf32>
      %get3A_1055 = arith.constant 1792 : index
      %get3A_1056 = arith.constant 0 : index
      %get3A_1057 = vector.load %arg2[%get3A_1055, %get3A_1056] : memref<8192x128xf32, #tpu.memory_space<vmem>>, vector<128x128xf32>
      %dot_general3A_1058 = arith.constant dense<0.000000e+00> : vector<1024x128xf32>
      %dot_general3A_1059 = tpu.matmul %get3A_3, %get3A_1057, %dot_general3A_1058 {dimension_numbers = #tpu.dot_dimension_numbers<[1], [1], [0], [0], [0, 0, 1, 0], [], []>, transpose_lhs_hint = false} : vector<1024x128xf32>, vector<128x128xf32>, vector<1024x128xf32> -> vector<1024x128xf32>
      %sub3A_1060 = arith.subf %dot_general3A_1059, %max3A_888 : vector<1024x128xf32>
      %exp23A_1061 = math.exp2 %sub3A_1060 : vector<1024x128xf32>
      %add3A_1062 = arith.addf %add3A_1054, %exp23A_1061 : vector<1024x128xf32>
      %get3A_1063 = arith.constant 1920 : index
      %get3A_1064 = arith.constant 0 : index
      %get3A_1065 = vector.load %arg2[%get3A_1063, %get3A_1064] : memref<8192x128xf32, #tpu.memory_space<vmem>>, vector<128x128xf32>
      %dot_general3A_1066 = arith.constant dense<0.000000e+00> : vector<1024x128xf32>
      %dot_general3A_1067 = tpu.matmul %get3A_3, %get3A_1065, %dot_general3A_1066 {dimension_numbers = #tpu.dot_dimension_numbers<[1], [1], [0], [0], [0, 0, 1, 0], [], []>, transpose_lhs_hint = false} : vector<1024x128xf32>, vector<128x128xf32>, vector<1024x128xf32> -> vector<1024x128xf32>
      %sub3A_1068 = arith.subf %dot_general3A_1067, %max3A_888 : vector<1024x128xf32>
      %exp23A_1069 = math.exp2 %sub3A_1068 : vector<1024x128xf32>
      %add3A_1070 = arith.addf %add3A_1062, %exp23A_1069 : vector<1024x128xf32>
      %get3A_1071 = arith.constant 2048 : index
      %get3A_1072 = arith.constant 0 : index
      %get3A_1073 = vector.load %arg2[%get3A_1071, %get3A_1072] : memref<8192x128xf32, #tpu.memory_space<vmem>>, vector<128x128xf32>
      %dot_general3A_1074 = arith.constant dense<0.000000e+00> : vector<1024x128xf32>
      %dot_general3A_1075 = tpu.matmul %get3A_3, %get3A_1073, %dot_general3A_1074 {dimension_numbers = #tpu.dot_dimension_numbers<[1], [1], [0], [0], [0, 0, 1, 0], [], []>, transpose_lhs_hint = false} : vector<1024x128xf32>, vector<128x128xf32>, vector<1024x128xf32> -> vector<1024x128xf32>
      %sub3A_1076 = arith.subf %dot_general3A_1075, %max3A_888 : vector<1024x128xf32>
      %exp23A_1077 = math.exp2 %sub3A_1076 : vector<1024x128xf32>
      %add3A_1078 = arith.addf %add3A_1070, %exp23A_1077 : vector<1024x128xf32>
      %get3A_1079 = arith.constant 2176 : index
      %get3A_1080 = arith.constant 0 : index
      %get3A_1081 = vector.load %arg2[%get3A_1079, %get3A_1080] : memref<8192x128xf32, #tpu.memory_space<vmem>>, vector<128x128xf32>
      %dot_general3A_1082 = arith.constant dense<0.000000e+00> : vector<1024x128xf32>
      %dot_general3A_1083 = tpu.matmul %get3A_3, %get3A_1081, %dot_general3A_1082 {dimension_numbers = #tpu.dot_dimension_numbers<[1], [1], [0], [0], [0, 0, 1, 0], [], []>, transpose_lhs_hint = false} : vector<1024x128xf32>, vector<128x128xf32>, vector<1024x128xf32> -> vector<1024x128xf32>
      %sub3A_1084 = arith.subf %dot_general3A_1083, %max3A_888 : vector<1024x128xf32>
      %exp23A_1085 = math.exp2 %sub3A_1084 : vector<1024x128xf32>
      %add3A_1086 = arith.addf %add3A_1078, %exp23A_1085 : vector<1024x128xf32>
      %get3A_1087 = arith.constant 2304 : index
      %get3A_1088 = arith.constant 0 : index
      %get3A_1089 = vector.load %arg2[%get3A_1087, %get3A_1088] : memref<8192x128xf32, #tpu.memory_space<vmem>>, vector<128x128xf32>
      %dot_general3A_1090 = arith.constant dense<0.000000e+00> : vector<1024x128xf32>
      %dot_general3A_1091 = tpu.matmul %get3A_3, %get3A_1089, %dot_general3A_1090 {dimension_numbers = #tpu.dot_dimension_numbers<[1], [1], [0], [0], [0, 0, 1, 0], [], []>, transpose_lhs_hint = false} : vector<1024x128xf32>, vector<128x128xf32>, vector<1024x128xf32> -> vector<1024x128xf32>
      %sub3A_1092 = arith.subf %dot_general3A_1091, %max3A_888 : vector<1024x128xf32>
      %exp23A_1093 = math.exp2 %sub3A_1092 : vector<1024x128xf32>
      %add3A_1094 = arith.addf %add3A_1086, %exp23A_1093 : vector<1024x128xf32>
      %get3A_1095 = arith.constant 2432 : index
      %get3A_1096 = arith.constant 0 : index
      %get3A_1097 = vector.load %arg2[%get3A_1095, %get3A_1096] : memref<8192x128xf32, #tpu.memory_space<vmem>>, vector<128x128xf32>
      %dot_general3A_1098 = arith.constant dense<0.000000e+00> : vector<1024x128xf32>
      %dot_general3A_1099 = tpu.matmul %get3A_3, %get3A_1097, %dot_general3A_1098 {dimension_numbers = #tpu.dot_dimension_numbers<[1], [1], [0], [0], [0, 0, 1, 0], [], []>, transpose_lhs_hint = false} : vector<1024x128xf32>, vector<128x128xf32>, vector<1024x128xf32> -> vector<1024x128xf32>
      %sub3A_1100 = arith.subf %dot_general3A_1099, %max3A_888 : vector<1024x128xf32>
      %exp23A_1101 = math.exp2 %sub3A_1100 : vector<1024x128xf32>
      %add3A_1102 = arith.addf %add3A_1094, %exp23A_1101 : vector<1024x128xf32>
      %get3A_1103 = arith.constant 2560 : index
      %get3A_1104 = arith.constant 0 : index
      %get3A_1105 = vector.load %arg2[%get3A_1103, %get3A_1104] : memref<8192x128xf32, #tpu.memory_space<vmem>>, vector<128x128xf32>
      %dot_general3A_1106 = arith.constant dense<0.000000e+00> : vector<1024x128xf32>
      %dot_general3A_1107 = tpu.matmul %get3A_3, %get3A_1105, %dot_general3A_1106 {dimension_numbers = #tpu.dot_dimension_numbers<[1], [1], [0], [0], [0, 0, 1, 0], [], []>, transpose_lhs_hint = false} : vector<1024x128xf32>, vector<128x128xf32>, vector<1024x128xf32> -> vector<1024x128xf32>
      %sub3A_1108 = arith.subf %dot_general3A_1107, %max3A_888 : vector<1024x128xf32>
      %exp23A_1109 = math.exp2 %sub3A_1108 : vector<1024x128xf32>
      %add3A_1110 = arith.addf %add3A_1102, %exp23A_1109 : vector<1024x128xf32>
      %get3A_1111 = arith.constant 2688 : index
      %get3A_1112 = arith.constant 0 : index
      %get3A_1113 = vector.load %arg2[%get3A_1111, %get3A_1112] : memref<8192x128xf32, #tpu.memory_space<vmem>>, vector<128x128xf32>
      %dot_general3A_1114 = arith.constant dense<0.000000e+00> : vector<1024x128xf32>
      %dot_general3A_1115 = tpu.matmul %get3A_3, %get3A_1113, %dot_general3A_1114 {dimension_numbers = #tpu.dot_dimension_numbers<[1], [1], [0], [0], [0, 0, 1, 0], [], []>, transpose_lhs_hint = false} : vector<1024x128xf32>, vector<128x128xf32>, vector<1024x128xf32> -> vector<1024x128xf32>
      %sub3A_1116 = arith.subf %dot_general3A_1115, %max3A_888 : vector<1024x128xf32>
      %exp23A_1117 = math.exp2 %sub3A_1116 : vector<1024x128xf32>
      %add3A_1118 = arith.addf %add3A_1110, %exp23A_1117 : vector<1024x128xf32>
      %get3A_1119 = arith.constant 2816 : index
      %get3A_1120 = arith.constant 0 : index
      %get3A_1121 = vector.load %arg2[%get3A_1119, %get3A_1120] : memref<8192x128xf32, #tpu.memory_space<vmem>>, vector<128x128xf32>
      %dot_general3A_1122 = arith.constant dense<0.000000e+00> : vector<1024x128xf32>
      %dot_general3A_1123 = tpu.matmul %get3A_3, %get3A_1121, %dot_general3A_1122 {dimension_numbers = #tpu.dot_dimension_numbers<[1], [1], [0], [0], [0, 0, 1, 0], [], []>, transpose_lhs_hint = false} : vector<1024x128xf32>, vector<128x128xf32>, vector<1024x128xf32> -> vector<1024x128xf32>
      %sub3A_1124 = arith.subf %dot_general3A_1123, %max3A_888 : vector<1024x128xf32>
      %exp23A_1125 = math.exp2 %sub3A_1124 : vector<1024x128xf32>
      %add3A_1126 = arith.addf %add3A_1118, %exp23A_1125 : vector<1024x128xf32>
      %get3A_1127 = arith.constant 2944 : index
      %get3A_1128 = arith.constant 0 : index
      %get3A_1129 = vector.load %arg2[%get3A_1127, %get3A_1128] : memref<8192x128xf32, #tpu.memory_space<vmem>>, vector<128x128xf32>
      %dot_general3A_1130 = arith.constant dense<0.000000e+00> : vector<1024x128xf32>
      %dot_general3A_1131 = tpu.matmul %get3A_3, %get3A_1129, %dot_general3A_1130 {dimension_numbers = #tpu.dot_dimension_numbers<[1], [1], [0], [0], [0, 0, 1, 0], [], []>, transpose_lhs_hint = false} : vector<1024x128xf32>, vector<128x128xf32>, vector<1024x128xf32> -> vector<1024x128xf32>
      %sub3A_1132 = arith.subf %dot_general3A_1131, %max3A_888 : vector<1024x128xf32>
      %exp23A_1133 = math.exp2 %sub3A_1132 : vector<1024x128xf32>
      %add3A_1134 = arith.addf %add3A_1126, %exp23A_1133 : vector<1024x128xf32>
      %get3A_1135 = arith.constant 3072 : index
      %get3A_1136 = arith.constant 0 : index
      %get3A_1137 = vector.load %arg2[%get3A_1135, %get3A_1136] : memref<8192x128xf32, #tpu.memory_space<vmem>>, vector<128x128xf32>
      %dot_general3A_1138 = arith.constant dense<0.000000e+00> : vector<1024x128xf32>
      %dot_general3A_1139 = tpu.matmul %get3A_3, %get3A_1137, %dot_general3A_1138 {dimension_numbers = #tpu.dot_dimension_numbers<[1], [1], [0], [0], [0, 0, 1, 0], [], []>, transpose_lhs_hint = false} : vector<1024x128xf32>, vector<128x128xf32>, vector<1024x128xf32> -> vector<1024x128xf32>
      %sub3A_1140 = arith.subf %dot_general3A_1139, %max3A_888 : vector<1024x128xf32>
      %exp23A_1141 = math.exp2 %sub3A_1140 : vector<1024x128xf32>
      %add3A_1142 = arith.addf %add3A_1134, %exp23A_1141 : vector<1024x128xf32>
      %get3A_1143 = arith.constant 3200 : index
      %get3A_1144 = arith.constant 0 : index
      %get3A_1145 = vector.load %arg2[%get3A_1143, %get3A_1144] : memref<8192x128xf32, #tpu.memory_space<vmem>>, vector<128x128xf32>
      %dot_general3A_1146 = arith.constant dense<0.000000e+00> : vector<1024x128xf32>
      %dot_general3A_1147 = tpu.matmul %get3A_3, %get3A_1145, %dot_general3A_1146 {dimension_numbers = #tpu.dot_dimension_numbers<[1], [1], [0], [0], [0, 0, 1, 0], [], []>, transpose_lhs_hint = false} : vector<1024x128xf32>, vector<128x128xf32>, vector<1024x128xf32> -> vector<1024x128xf32>
      %sub3A_1148 = arith.subf %dot_general3A_1147, %max3A_888 : vector<1024x128xf32>
      %exp23A_1149 = math.exp2 %sub3A_1148 : vector<1024x128xf32>
      %add3A_1150 = arith.addf %add3A_1142, %exp23A_1149 : vector<1024x128xf32>
      %get3A_1151 = arith.constant 3328 : index
      %get3A_1152 = arith.constant 0 : index
      %get3A_1153 = vector.load %arg2[%get3A_1151, %get3A_1152] : memref<8192x128xf32, #tpu.memory_space<vmem>>, vector<128x128xf32>
      %dot_general3A_1154 = arith.constant dense<0.000000e+00> : vector<1024x128xf32>
      %dot_general3A_1155 = tpu.matmul %get3A_3, %get3A_1153, %dot_general3A_1154 {dimension_numbers = #tpu.dot_dimension_numbers<[1], [1], [0], [0], [0, 0, 1, 0], [], []>, transpose_lhs_hint = false} : vector<1024x128xf32>, vector<128x128xf32>, vector<1024x128xf32> -> vector<1024x128xf32>
      %sub3A_1156 = arith.subf %dot_general3A_1155, %max3A_888 : vector<1024x128xf32>
      %exp23A_1157 = math.exp2 %sub3A_1156 : vector<1024x128xf32>
      %add3A_1158 = arith.addf %add3A_1150, %exp23A_1157 : vector<1024x128xf32>
      %get3A_1159 = arith.constant 3456 : index
      %get3A_1160 = arith.constant 0 : index
      %get3A_1161 = vector.load %arg2[%get3A_1159, %get3A_1160] : memref<8192x128xf32, #tpu.memory_space<vmem>>, vector<128x128xf32>
      %dot_general3A_1162 = arith.constant dense<0.000000e+00> : vector<1024x128xf32>
      %dot_general3A_1163 = tpu.matmul %get3A_3, %get3A_1161, %dot_general3A_1162 {dimension_numbers = #tpu.dot_dimension_numbers<[1], [1], [0], [0], [0, 0, 1, 0], [], []>, transpose_lhs_hint = false} : vector<1024x128xf32>, vector<128x128xf32>, vector<1024x128xf32> -> vector<1024x128xf32>
      %sub3A_1164 = arith.subf %dot_general3A_1163, %max3A_888 : vector<1024x128xf32>
      %exp23A_1165 = math.exp2 %sub3A_1164 : vector<1024x128xf32>
      %add3A_1166 = arith.addf %add3A_1158, %exp23A_1165 : vector<1024x128xf32>
      %get3A_1167 = arith.constant 3584 : index
      %get3A_1168 = arith.constant 0 : index
      %get3A_1169 = vector.load %arg2[%get3A_1167, %get3A_1168] : memref<8192x128xf32, #tpu.memory_space<vmem>>, vector<128x128xf32>
      %dot_general3A_1170 = arith.constant dense<0.000000e+00> : vector<1024x128xf32>
      %dot_general3A_1171 = tpu.matmul %get3A_3, %get3A_1169, %dot_general3A_1170 {dimension_numbers = #tpu.dot_dimension_numbers<[1], [1], [0], [0], [0, 0, 1, 0], [], []>, transpose_lhs_hint = false} : vector<1024x128xf32>, vector<128x128xf32>, vector<1024x128xf32> -> vector<1024x128xf32>
      %sub3A_1172 = arith.subf %dot_general3A_1171, %max3A_888 : vector<1024x128xf32>
      %exp23A_1173 = math.exp2 %sub3A_1172 : vector<1024x128xf32>
      %add3A_1174 = arith.addf %add3A_1166, %exp23A_1173 : vector<1024x128xf32>
      %get3A_1175 = arith.constant 3712 : index
      %get3A_1176 = arith.constant 0 : index
      %get3A_1177 = vector.load %arg2[%get3A_1175, %get3A_1176] : memref<8192x128xf32, #tpu.memory_space<vmem>>, vector<128x128xf32>
      %dot_general3A_1178 = arith.constant dense<0.000000e+00> : vector<1024x128xf32>
      %dot_general3A_1179 = tpu.matmul %get3A_3, %get3A_1177, %dot_general3A_1178 {dimension_numbers = #tpu.dot_dimension_numbers<[1], [1], [0], [0], [0, 0, 1, 0], [], []>, transpose_lhs_hint = false} : vector<1024x128xf32>, vector<128x128xf32>, vector<1024x128xf32> -> vector<1024x128xf32>
      %sub3A_1180 = arith.subf %dot_general3A_1179, %max3A_888 : vector<1024x128xf32>
      %exp23A_1181 = math.exp2 %sub3A_1180 : vector<1024x128xf32>
      %add3A_1182 = arith.addf %add3A_1174, %exp23A_1181 : vector<1024x128xf32>
      %get3A_1183 = arith.constant 3840 : index
      %get3A_1184 = arith.constant 0 : index
      %get3A_1185 = vector.load %arg2[%get3A_1183, %get3A_1184] : memref<8192x128xf32, #tpu.memory_space<vmem>>, vector<128x128xf32>
      %dot_general3A_1186 = arith.constant dense<0.000000e+00> : vector<1024x128xf32>
      %dot_general3A_1187 = tpu.matmul %get3A_3, %get3A_1185, %dot_general3A_1186 {dimension_numbers = #tpu.dot_dimension_numbers<[1], [1], [0], [0], [0, 0, 1, 0], [], []>, transpose_lhs_hint = false} : vector<1024x128xf32>, vector<128x128xf32>, vector<1024x128xf32> -> vector<1024x128xf32>
      %sub3A_1188 = arith.subf %dot_general3A_1187, %max3A_888 : vector<1024x128xf32>
      %exp23A_1189 = math.exp2 %sub3A_1188 : vector<1024x128xf32>
      %add3A_1190 = arith.addf %add3A_1182, %exp23A_1189 : vector<1024x128xf32>
      %get3A_1191 = arith.constant 3968 : index
      %get3A_1192 = arith.constant 0 : index
      %get3A_1193 = vector.load %arg2[%get3A_1191, %get3A_1192] : memref<8192x128xf32, #tpu.memory_space<vmem>>, vector<128x128xf32>
      %dot_general3A_1194 = arith.constant dense<0.000000e+00> : vector<1024x128xf32>
      %dot_general3A_1195 = tpu.matmul %get3A_3, %get3A_1193, %dot_general3A_1194 {dimension_numbers = #tpu.dot_dimension_numbers<[1], [1], [0], [0], [0, 0, 1, 0], [], []>, transpose_lhs_hint = false} : vector<1024x128xf32>, vector<128x128xf32>, vector<1024x128xf32> -> vector<1024x128xf32>
      %sub3A_1196 = arith.subf %dot_general3A_1195, %max3A_888 : vector<1024x128xf32>
      %exp23A_1197 = math.exp2 %sub3A_1196 : vector<1024x128xf32>
      %add3A_1198 = arith.addf %add3A_1190, %exp23A_1197 : vector<1024x128xf32>
      %get3A_1199 = arith.constant 4096 : index
      %get3A_1200 = arith.constant 0 : index
      %get3A_1201 = vector.load %arg2[%get3A_1199, %get3A_1200] : memref<8192x128xf32, #tpu.memory_space<vmem>>, vector<128x128xf32>
      %dot_general3A_1202 = arith.constant dense<0.000000e+00> : vector<1024x128xf32>
      %dot_general3A_1203 = tpu.matmul %get3A_3, %get3A_1201, %dot_general3A_1202 {dimension_numbers = #tpu.dot_dimension_numbers<[1], [1], [0], [0], [0, 0, 1, 0], [], []>, transpose_lhs_hint = false} : vector<1024x128xf32>, vector<128x128xf32>, vector<1024x128xf32> -> vector<1024x128xf32>
      %sub3A_1204 = arith.subf %dot_general3A_1203, %max3A_888 : vector<1024x128xf32>
      %exp23A_1205 = math.exp2 %sub3A_1204 : vector<1024x128xf32>
      %add3A_1206 = arith.addf %add3A_1198, %exp23A_1205 : vector<1024x128xf32>
      %get3A_1207 = arith.constant 4224 : index
      %get3A_1208 = arith.constant 0 : index
      %get3A_1209 = vector.load %arg2[%get3A_1207, %get3A_1208] : memref<8192x128xf32, #tpu.memory_space<vmem>>, vector<128x128xf32>
      %dot_general3A_1210 = arith.constant dense<0.000000e+00> : vector<1024x128xf32>
      %dot_general3A_1211 = tpu.matmul %get3A_3, %get3A_1209, %dot_general3A_1210 {dimension_numbers = #tpu.dot_dimension_numbers<[1], [1], [0], [0], [0, 0, 1, 0], [], []>, transpose_lhs_hint = false} : vector<1024x128xf32>, vector<128x128xf32>, vector<1024x128xf32> -> vector<1024x128xf32>
      %sub3A_1212 = arith.subf %dot_general3A_1211, %max3A_888 : vector<1024x128xf32>
      %exp23A_1213 = math.exp2 %sub3A_1212 : vector<1024x128xf32>
      %add3A_1214 = arith.addf %add3A_1206, %exp23A_1213 : vector<1024x128xf32>
      %get3A_1215 = arith.constant 4352 : index
      %get3A_1216 = arith.constant 0 : index
      %get3A_1217 = vector.load %arg2[%get3A_1215, %get3A_1216] : memref<8192x128xf32, #tpu.memory_space<vmem>>, vector<128x128xf32>
      %dot_general3A_1218 = arith.constant dense<0.000000e+00> : vector<1024x128xf32>
      %dot_general3A_1219 = tpu.matmul %get3A_3, %get3A_1217, %dot_general3A_1218 {dimension_numbers = #tpu.dot_dimension_numbers<[1], [1], [0], [0], [0, 0, 1, 0], [], []>, transpose_lhs_hint = false} : vector<1024x128xf32>, vector<128x128xf32>, vector<1024x128xf32> -> vector<1024x128xf32>
      %sub3A_1220 = arith.subf %dot_general3A_1219, %max3A_888 : vector<1024x128xf32>
      %exp23A_1221 = math.exp2 %sub3A_1220 : vector<1024x128xf32>
      %add3A_1222 = arith.addf %add3A_1214, %exp23A_1221 : vector<1024x128xf32>
      %get3A_1223 = arith.constant 4480 : index
      %get3A_1224 = arith.constant 0 : index
      %get3A_1225 = vector.load %arg2[%get3A_1223, %get3A_1224] : memref<8192x128xf32, #tpu.memory_space<vmem>>, vector<128x128xf32>
      %dot_general3A_1226 = arith.constant dense<0.000000e+00> : vector<1024x128xf32>
      %dot_general3A_1227 = tpu.matmul %get3A_3, %get3A_1225, %dot_general3A_1226 {dimension_numbers = #tpu.dot_dimension_numbers<[1], [1], [0], [0], [0, 0, 1, 0], [], []>, transpose_lhs_hint = false} : vector<1024x128xf32>, vector<128x128xf32>, vector<1024x128xf32> -> vector<1024x128xf32>
      %sub3A_1228 = arith.subf %dot_general3A_1227, %max3A_888 : vector<1024x128xf32>
      %exp23A_1229 = math.exp2 %sub3A_1228 : vector<1024x128xf32>
      %add3A_1230 = arith.addf %add3A_1222, %exp23A_1229 : vector<1024x128xf32>
      %get3A_1231 = arith.constant 4608 : index
      %get3A_1232 = arith.constant 0 : index
      %get3A_1233 = vector.load %arg2[%get3A_1231, %get3A_1232] : memref<8192x128xf32, #tpu.memory_space<vmem>>, vector<128x128xf32>
      %dot_general3A_1234 = arith.constant dense<0.000000e+00> : vector<1024x128xf32>
      %dot_general3A_1235 = tpu.matmul %get3A_3, %get3A_1233, %dot_general3A_1234 {dimension_numbers = #tpu.dot_dimension_numbers<[1], [1], [0], [0], [0, 0, 1, 0], [], []>, transpose_lhs_hint = false} : vector<1024x128xf32>, vector<128x128xf32>, vector<1024x128xf32> -> vector<1024x128xf32>
      %sub3A_1236 = arith.subf %dot_general3A_1235, %max3A_888 : vector<1024x128xf32>
      %exp23A_1237 = math.exp2 %sub3A_1236 : vector<1024x128xf32>
      %add3A_1238 = arith.addf %add3A_1230, %exp23A_1237 : vector<1024x128xf32>
      %get3A_1239 = arith.constant 4736 : index
      %get3A_1240 = arith.constant 0 : index
      %get3A_1241 = vector.load %arg2[%get3A_1239, %get3A_1240] : memref<8192x128xf32, #tpu.memory_space<vmem>>, vector<128x128xf32>
      %dot_general3A_1242 = arith.constant dense<0.000000e+00> : vector<1024x128xf32>
      %dot_general3A_1243 = tpu.matmul %get3A_3, %get3A_1241, %dot_general3A_1242 {dimension_numbers = #tpu.dot_dimension_numbers<[1], [1], [0], [0], [0, 0, 1, 0], [], []>, transpose_lhs_hint = false} : vector<1024x128xf32>, vector<128x128xf32>, vector<1024x128xf32> -> vector<1024x128xf32>
      %sub3A_1244 = arith.subf %dot_general3A_1243, %max3A_888 : vector<1024x128xf32>
      %exp23A_1245 = math.exp2 %sub3A_1244 : vector<1024x128xf32>
      %add3A_1246 = arith.addf %add3A_1238, %exp23A_1245 : vector<1024x128xf32>
      %get3A_1247 = arith.constant 4864 : index
      %get3A_1248 = arith.constant 0 : index
      %get3A_1249 = vector.load %arg2[%get3A_1247, %get3A_1248] : memref<8192x128xf32, #tpu.memory_space<vmem>>, vector<128x128xf32>
      %dot_general3A_1250 = arith.constant dense<0.000000e+00> : vector<1024x128xf32>
      %dot_general3A_1251 = tpu.matmul %get3A_3, %get3A_1249, %dot_general3A_1250 {dimension_numbers = #tpu.dot_dimension_numbers<[1], [1], [0], [0], [0, 0, 1, 0], [], []>, transpose_lhs_hint = false} : vector<1024x128xf32>, vector<128x128xf32>, vector<1024x128xf32> -> vector<1024x128xf32>
      %sub3A_1252 = arith.subf %dot_general3A_1251, %max3A_888 : vector<1024x128xf32>
      %exp23A_1253 = math.exp2 %sub3A_1252 : vector<1024x128xf32>
      %add3A_1254 = arith.addf %add3A_1246, %exp23A_1253 : vector<1024x128xf32>
      %get3A_1255 = arith.constant 4992 : index
      %get3A_1256 = arith.constant 0 : index
      %get3A_1257 = vector.load %arg2[%get3A_1255, %get3A_1256] : memref<8192x128xf32, #tpu.memory_space<vmem>>, vector<128x128xf32>
      %dot_general3A_1258 = arith.constant dense<0.000000e+00> : vector<1024x128xf32>
      %dot_general3A_1259 = tpu.matmul %get3A_3, %get3A_1257, %dot_general3A_1258 {dimension_numbers = #tpu.dot_dimension_numbers<[1], [1], [0], [0], [0, 0, 1, 0], [], []>, transpose_lhs_hint = false} : vector<1024x128xf32>, vector<128x128xf32>, vector<1024x128xf32> -> vector<1024x128xf32>
      %sub3A_1260 = arith.subf %dot_general3A_1259, %max3A_888 : vector<1024x128xf32>
      %exp23A_1261 = math.exp2 %sub3A_1260 : vector<1024x128xf32>
      %add3A_1262 = arith.addf %add3A_1254, %exp23A_1261 : vector<1024x128xf32>
      %get3A_1263 = arith.constant 5120 : index
      %get3A_1264 = arith.constant 0 : index
      %get3A_1265 = vector.load %arg2[%get3A_1263, %get3A_1264] : memref<8192x128xf32, #tpu.memory_space<vmem>>, vector<128x128xf32>
      %dot_general3A_1266 = arith.constant dense<0.000000e+00> : vector<1024x128xf32>
      %dot_general3A_1267 = tpu.matmul %get3A_3, %get3A_1265, %dot_general3A_1266 {dimension_numbers = #tpu.dot_dimension_numbers<[1], [1], [0], [0], [0, 0, 1, 0], [], []>, transpose_lhs_hint = false} : vector<1024x128xf32>, vector<128x128xf32>, vector<1024x128xf32> -> vector<1024x128xf32>
      %sub3A_1268 = arith.subf %dot_general3A_1267, %max3A_888 : vector<1024x128xf32>
      %exp23A_1269 = math.exp2 %sub3A_1268 : vector<1024x128xf32>
      %add3A_1270 = arith.addf %add3A_1262, %exp23A_1269 : vector<1024x128xf32>
      %get3A_1271 = arith.constant 5248 : index
      %get3A_1272 = arith.constant 0 : index
      %get3A_1273 = vector.load %arg2[%get3A_1271, %get3A_1272] : memref<8192x128xf32, #tpu.memory_space<vmem>>, vector<128x128xf32>
      %dot_general3A_1274 = arith.constant dense<0.000000e+00> : vector<1024x128xf32>
      %dot_general3A_1275 = tpu.matmul %get3A_3, %get3A_1273, %dot_general3A_1274 {dimension_numbers = #tpu.dot_dimension_numbers<[1], [1], [0], [0], [0, 0, 1, 0], [], []>, transpose_lhs_hint = false} : vector<1024x128xf32>, vector<128x128xf32>, vector<1024x128xf32> -> vector<1024x128xf32>
      %sub3A_1276 = arith.subf %dot_general3A_1275, %max3A_888 : vector<1024x128xf32>
      %exp23A_1277 = math.exp2 %sub3A_1276 : vector<1024x128xf32>
      %add3A_1278 = arith.addf %add3A_1270, %exp23A_1277 : vector<1024x128xf32>
      %get3A_1279 = arith.constant 5376 : index
      %get3A_1280 = arith.constant 0 : index
      %get3A_1281 = vector.load %arg2[%get3A_1279, %get3A_1280] : memref<8192x128xf32, #tpu.memory_space<vmem>>, vector<128x128xf32>
      %dot_general3A_1282 = arith.constant dense<0.000000e+00> : vector<1024x128xf32>
      %dot_general3A_1283 = tpu.matmul %get3A_3, %get3A_1281, %dot_general3A_1282 {dimension_numbers = #tpu.dot_dimension_numbers<[1], [1], [0], [0], [0, 0, 1, 0], [], []>, transpose_lhs_hint = false} : vector<1024x128xf32>, vector<128x128xf32>, vector<1024x128xf32> -> vector<1024x128xf32>
      %sub3A_1284 = arith.subf %dot_general3A_1283, %max3A_888 : vector<1024x128xf32>
      %exp23A_1285 = math.exp2 %sub3A_1284 : vector<1024x128xf32>
      %add3A_1286 = arith.addf %add3A_1278, %exp23A_1285 : vector<1024x128xf32>
      %get3A_1287 = arith.constant 5504 : index
      %get3A_1288 = arith.constant 0 : index
      %get3A_1289 = vector.load %arg2[%get3A_1287, %get3A_1288] : memref<8192x128xf32, #tpu.memory_space<vmem>>, vector<128x128xf32>
      %dot_general3A_1290 = arith.constant dense<0.000000e+00> : vector<1024x128xf32>
      %dot_general3A_1291 = tpu.matmul %get3A_3, %get3A_1289, %dot_general3A_1290 {dimension_numbers = #tpu.dot_dimension_numbers<[1], [1], [0], [0], [0, 0, 1, 0], [], []>, transpose_lhs_hint = false} : vector<1024x128xf32>, vector<128x128xf32>, vector<1024x128xf32> -> vector<1024x128xf32>
      %sub3A_1292 = arith.subf %dot_general3A_1291, %max3A_888 : vector<1024x128xf32>
      %exp23A_1293 = math.exp2 %sub3A_1292 : vector<1024x128xf32>
      %add3A_1294 = arith.addf %add3A_1286, %exp23A_1293 : vector<1024x128xf32>
      %get3A_1295 = arith.constant 5632 : index
      %get3A_1296 = arith.constant 0 : index
      %get3A_1297 = vector.load %arg2[%get3A_1295, %get3A_1296] : memref<8192x128xf32, #tpu.memory_space<vmem>>, vector<128x128xf32>
      %dot_general3A_1298 = arith.constant dense<0.000000e+00> : vector<1024x128xf32>
      %dot_general3A_1299 = tpu.matmul %get3A_3, %get3A_1297, %dot_general3A_1298 {dimension_numbers = #tpu.dot_dimension_numbers<[1], [1], [0], [0], [0, 0, 1, 0], [], []>, transpose_lhs_hint = false} : vector<1024x128xf32>, vector<128x128xf32>, vector<1024x128xf32> -> vector<1024x128xf32>
      %sub3A_1300 = arith.subf %dot_general3A_1299, %max3A_888 : vector<1024x128xf32>
      %exp23A_1301 = math.exp2 %sub3A_1300 : vector<1024x128xf32>
      %add3A_1302 = arith.addf %add3A_1294, %exp23A_1301 : vector<1024x128xf32>
      %get3A_1303 = arith.constant 5760 : index
      %get3A_1304 = arith.constant 0 : index
      %get3A_1305 = vector.load %arg2[%get3A_1303, %get3A_1304] : memref<8192x128xf32, #tpu.memory_space<vmem>>, vector<128x128xf32>
      %dot_general3A_1306 = arith.constant dense<0.000000e+00> : vector<1024x128xf32>
      %dot_general3A_1307 = tpu.matmul %get3A_3, %get3A_1305, %dot_general3A_1306 {dimension_numbers = #tpu.dot_dimension_numbers<[1], [1], [0], [0], [0, 0, 1, 0], [], []>, transpose_lhs_hint = false} : vector<1024x128xf32>, vector<128x128xf32>, vector<1024x128xf32> -> vector<1024x128xf32>
      %sub3A_1308 = arith.subf %dot_general3A_1307, %max3A_888 : vector<1024x128xf32>
      %exp23A_1309 = math.exp2 %sub3A_1308 : vector<1024x128xf32>
      %add3A_1310 = arith.addf %add3A_1302, %exp23A_1309 : vector<1024x128xf32>
      %get3A_1311 = arith.constant 5888 : index
      %get3A_1312 = arith.constant 0 : index
      %get3A_1313 = vector.load %arg2[%get3A_1311, %get3A_1312] : memref<8192x128xf32, #tpu.memory_space<vmem>>, vector<128x128xf32>
      %dot_general3A_1314 = arith.constant dense<0.000000e+00> : vector<1024x128xf32>
      %dot_general3A_1315 = tpu.matmul %get3A_3, %get3A_1313, %dot_general3A_1314 {dimension_numbers = #tpu.dot_dimension_numbers<[1], [1], [0], [0], [0, 0, 1, 0], [], []>, transpose_lhs_hint = false} : vector<1024x128xf32>, vector<128x128xf32>, vector<1024x128xf32> -> vector<1024x128xf32>
      %sub3A_1316 = arith.subf %dot_general3A_1315, %max3A_888 : vector<1024x128xf32>
      %exp23A_1317 = math.exp2 %sub3A_1316 : vector<1024x128xf32>
      %add3A_1318 = arith.addf %add3A_1310, %exp23A_1317 : vector<1024x128xf32>
      %get3A_1319 = arith.constant 6016 : index
      %get3A_1320 = arith.constant 0 : index
      %get3A_1321 = vector.load %arg2[%get3A_1319, %get3A_1320] : memref<8192x128xf32, #tpu.memory_space<vmem>>, vector<128x128xf32>
      %dot_general3A_1322 = arith.constant dense<0.000000e+00> : vector<1024x128xf32>
      %dot_general3A_1323 = tpu.matmul %get3A_3, %get3A_1321, %dot_general3A_1322 {dimension_numbers = #tpu.dot_dimension_numbers<[1], [1], [0], [0], [0, 0, 1, 0], [], []>, transpose_lhs_hint = false} : vector<1024x128xf32>, vector<128x128xf32>, vector<1024x128xf32> -> vector<1024x128xf32>
      %sub3A_1324 = arith.subf %dot_general3A_1323, %max3A_888 : vector<1024x128xf32>
      %exp23A_1325 = math.exp2 %sub3A_1324 : vector<1024x128xf32>
      %add3A_1326 = arith.addf %add3A_1318, %exp23A_1325 : vector<1024x128xf32>
      %get3A_1327 = arith.constant 6144 : index
      %get3A_1328 = arith.constant 0 : index
      %get3A_1329 = vector.load %arg2[%get3A_1327, %get3A_1328] : memref<8192x128xf32, #tpu.memory_space<vmem>>, vector<128x128xf32>
      %dot_general3A_1330 = arith.constant dense<0.000000e+00> : vector<1024x128xf32>
      %dot_general3A_1331 = tpu.matmul %get3A_3, %get3A_1329, %dot_general3A_1330 {dimension_numbers = #tpu.dot_dimension_numbers<[1], [1], [0], [0], [0, 0, 1, 0], [], []>, transpose_lhs_hint = false} : vector<1024x128xf32>, vector<128x128xf32>, vector<1024x128xf32> -> vector<1024x128xf32>
      %sub3A_1332 = arith.subf %dot_general3A_1331, %max3A_888 : vector<1024x128xf32>
      %exp23A_1333 = math.exp2 %sub3A_1332 : vector<1024x128xf32>
      %add3A_1334 = arith.addf %add3A_1326, %exp23A_1333 : vector<1024x128xf32>
      %get3A_1335 = arith.constant 6272 : index
      %get3A_1336 = arith.constant 0 : index
      %get3A_1337 = vector.load %arg2[%get3A_1335, %get3A_1336] : memref<8192x128xf32, #tpu.memory_space<vmem>>, vector<128x128xf32>
      %dot_general3A_1338 = arith.constant dense<0.000000e+00> : vector<1024x128xf32>
      %dot_general3A_1339 = tpu.matmul %get3A_3, %get3A_1337, %dot_general3A_1338 {dimension_numbers = #tpu.dot_dimension_numbers<[1], [1], [0], [0], [0, 0, 1, 0], [], []>, transpose_lhs_hint = false} : vector<1024x128xf32>, vector<128x128xf32>, vector<1024x128xf32> -> vector<1024x128xf32>
      %sub3A_1340 = arith.subf %dot_general3A_1339, %max3A_888 : vector<1024x128xf32>
      %exp23A_1341 = math.exp2 %sub3A_1340 : vector<1024x128xf32>
      %add3A_1342 = arith.addf %add3A_1334, %exp23A_1341 : vector<1024x128xf32>
      %get3A_1343 = arith.constant 6400 : index
      %get3A_1344 = arith.constant 0 : index
      %get3A_1345 = vector.load %arg2[%get3A_1343, %get3A_1344] : memref<8192x128xf32, #tpu.memory_space<vmem>>, vector<128x128xf32>
      %dot_general3A_1346 = arith.constant dense<0.000000e+00> : vector<1024x128xf32>
      %dot_general3A_1347 = tpu.matmul %get3A_3, %get3A_1345, %dot_general3A_1346 {dimension_numbers = #tpu.dot_dimension_numbers<[1], [1], [0], [0], [0, 0, 1, 0], [], []>, transpose_lhs_hint = false} : vector<1024x128xf32>, vector<128x128xf32>, vector<1024x128xf32> -> vector<1024x128xf32>
      %sub3A_1348 = arith.subf %dot_general3A_1347, %max3A_888 : vector<1024x128xf32>
      %exp23A_1349 = math.exp2 %sub3A_1348 : vector<1024x128xf32>
      %add3A_1350 = arith.addf %add3A_1342, %exp23A_1349 : vector<1024x128xf32>
      %get3A_1351 = arith.constant 6528 : index
      %get3A_1352 = arith.constant 0 : index
      %get3A_1353 = vector.load %arg2[%get3A_1351, %get3A_1352] : memref<8192x128xf32, #tpu.memory_space<vmem>>, vector<128x128xf32>
      %dot_general3A_1354 = arith.constant dense<0.000000e+00> : vector<1024x128xf32>
      %dot_general3A_1355 = tpu.matmul %get3A_3, %get3A_1353, %dot_general3A_1354 {dimension_numbers = #tpu.dot_dimension_numbers<[1], [1], [0], [0], [0, 0, 1, 0], [], []>, transpose_lhs_hint = false} : vector<1024x128xf32>, vector<128x128xf32>, vector<1024x128xf32> -> vector<1024x128xf32>
      %sub3A_1356 = arith.subf %dot_general3A_1355, %max3A_888 : vector<1024x128xf32>
      %exp23A_1357 = math.exp2 %sub3A_1356 : vector<1024x128xf32>
      %add3A_1358 = arith.addf %add3A_1350, %exp23A_1357 : vector<1024x128xf32>
      %get3A_1359 = arith.constant 6656 : index
      %get3A_1360 = arith.constant 0 : index
      %get3A_1361 = vector.load %arg2[%get3A_1359, %get3A_1360] : memref<8192x128xf32, #tpu.memory_space<vmem>>, vector<128x128xf32>
      %dot_general3A_1362 = arith.constant dense<0.000000e+00> : vector<1024x128xf32>
      %dot_general3A_1363 = tpu.matmul %get3A_3, %get3A_1361, %dot_general3A_1362 {dimension_numbers = #tpu.dot_dimension_numbers<[1], [1], [0], [0], [0, 0, 1, 0], [], []>, transpose_lhs_hint = false} : vector<1024x128xf32>, vector<128x128xf32>, vector<1024x128xf32> -> vector<1024x128xf32>
      %sub3A_1364 = arith.subf %dot_general3A_1363, %max3A_888 : vector<1024x128xf32>
      %exp23A_1365 = math.exp2 %sub3A_1364 : vector<1024x128xf32>
      %add3A_1366 = arith.addf %add3A_1358, %exp23A_1365 : vector<1024x128xf32>
      %get3A_1367 = arith.constant 6784 : index
      %get3A_1368 = arith.constant 0 : index
      %get3A_1369 = vector.load %arg2[%get3A_1367, %get3A_1368] : memref<8192x128xf32, #tpu.memory_space<vmem>>, vector<128x128xf32>
      %dot_general3A_1370 = arith.constant dense<0.000000e+00> : vector<1024x128xf32>
      %dot_general3A_1371 = tpu.matmul %get3A_3, %get3A_1369, %dot_general3A_1370 {dimension_numbers = #tpu.dot_dimension_numbers<[1], [1], [0], [0], [0, 0, 1, 0], [], []>, transpose_lhs_hint = false} : vector<1024x128xf32>, vector<128x128xf32>, vector<1024x128xf32> -> vector<1024x128xf32>
      %sub3A_1372 = arith.subf %dot_general3A_1371, %max3A_888 : vector<1024x128xf32>
      %exp23A_1373 = math.exp2 %sub3A_1372 : vector<1024x128xf32>
      %add3A_1374 = arith.addf %add3A_1366, %exp23A_1373 : vector<1024x128xf32>
      %get3A_1375 = arith.constant 6912 : index
      %get3A_1376 = arith.constant 0 : index
      %get3A_1377 = vector.load %arg2[%get3A_1375, %get3A_1376] : memref<8192x128xf32, #tpu.memory_space<vmem>>, vector<128x128xf32>
      %dot_general3A_1378 = arith.constant dense<0.000000e+00> : vector<1024x128xf32>
      %dot_general3A_1379 = tpu.matmul %get3A_3, %get3A_1377, %dot_general3A_1378 {dimension_numbers = #tpu.dot_dimension_numbers<[1], [1], [0], [0], [0, 0, 1, 0], [], []>, transpose_lhs_hint = false} : vector<1024x128xf32>, vector<128x128xf32>, vector<1024x128xf32> -> vector<1024x128xf32>
      %sub3A_1380 = arith.subf %dot_general3A_1379, %max3A_888 : vector<1024x128xf32>
      %exp23A_1381 = math.exp2 %sub3A_1380 : vector<1024x128xf32>
      %add3A_1382 = arith.addf %add3A_1374, %exp23A_1381 : vector<1024x128xf32>
      %get3A_1383 = arith.constant 7040 : index
      %get3A_1384 = arith.constant 0 : index
      %get3A_1385 = vector.load %arg2[%get3A_1383, %get3A_1384] : memref<8192x128xf32, #tpu.memory_space<vmem>>, vector<128x128xf32>
      %dot_general3A_1386 = arith.constant dense<0.000000e+00> : vector<1024x128xf32>
      %dot_general3A_1387 = tpu.matmul %get3A_3, %get3A_1385, %dot_general3A_1386 {dimension_numbers = #tpu.dot_dimension_numbers<[1], [1], [0], [0], [0, 0, 1, 0], [], []>, transpose_lhs_hint = false} : vector<1024x128xf32>, vector<128x128xf32>, vector<1024x128xf32> -> vector<1024x128xf32>
      %sub3A_1388 = arith.subf %dot_general3A_1387, %max3A_888 : vector<1024x128xf32>
      %exp23A_1389 = math.exp2 %sub3A_1388 : vector<1024x128xf32>
      %add3A_1390 = arith.addf %add3A_1382, %exp23A_1389 : vector<1024x128xf32>
      %get3A_1391 = arith.constant 7168 : index
      %get3A_1392 = arith.constant 0 : index
      %get3A_1393 = vector.load %arg2[%get3A_1391, %get3A_1392] : memref<8192x128xf32, #tpu.memory_space<vmem>>, vector<128x128xf32>
      %dot_general3A_1394 = arith.constant dense<0.000000e+00> : vector<1024x128xf32>
      %dot_general3A_1395 = tpu.matmul %get3A_3, %get3A_1393, %dot_general3A_1394 {dimension_numbers = #tpu.dot_dimension_numbers<[1], [1], [0], [0], [0, 0, 1, 0], [], []>, transpose_lhs_hint = false} : vector<1024x128xf32>, vector<128x128xf32>, vector<1024x128xf32> -> vector<1024x128xf32>
      %sub3A_1396 = arith.subf %dot_general3A_1395, %max3A_888 : vector<1024x128xf32>
      %exp23A_1397 = math.exp2 %sub3A_1396 : vector<1024x128xf32>
      %add3A_1398 = arith.addf %add3A_1390, %exp23A_1397 : vector<1024x128xf32>
      %get3A_1399 = arith.constant 7296 : index
      %get3A_1400 = arith.constant 0 : index
      %get3A_1401 = vector.load %arg2[%get3A_1399, %get3A_1400] : memref<8192x128xf32, #tpu.memory_space<vmem>>, vector<128x128xf32>
      %dot_general3A_1402 = arith.constant dense<0.000000e+00> : vector<1024x128xf32>
      %dot_general3A_1403 = tpu.matmul %get3A_3, %get3A_1401, %dot_general3A_1402 {dimension_numbers = #tpu.dot_dimension_numbers<[1], [1], [0], [0], [0, 0, 1, 0], [], []>, transpose_lhs_hint = false} : vector<1024x128xf32>, vector<128x128xf32>, vector<1024x128xf32> -> vector<1024x128xf32>
      %sub3A_1404 = arith.subf %dot_general3A_1403, %max3A_888 : vector<1024x128xf32>
      %exp23A_1405 = math.exp2 %sub3A_1404 : vector<1024x128xf32>
      %add3A_1406 = arith.addf %add3A_1398, %exp23A_1405 : vector<1024x128xf32>
      %get3A_1407 = arith.constant 7424 : index
      %get3A_1408 = arith.constant 0 : index
      %get3A_1409 = vector.load %arg2[%get3A_1407, %get3A_1408] : memref<8192x128xf32, #tpu.memory_space<vmem>>, vector<128x128xf32>
      %dot_general3A_1410 = arith.constant dense<0.000000e+00> : vector<1024x128xf32>
      %dot_general3A_1411 = tpu.matmul %get3A_3, %get3A_1409, %dot_general3A_1410 {dimension_numbers = #tpu.dot_dimension_numbers<[1], [1], [0], [0], [0, 0, 1, 0], [], []>, transpose_lhs_hint = false} : vector<1024x128xf32>, vector<128x128xf32>, vector<1024x128xf32> -> vector<1024x128xf32>
      %sub3A_1412 = arith.subf %dot_general3A_1411, %max3A_888 : vector<1024x128xf32>
      %exp23A_1413 = math.exp2 %sub3A_1412 : vector<1024x128xf32>
      %add3A_1414 = arith.addf %add3A_1406, %exp23A_1413 : vector<1024x128xf32>
      %get3A_1415 = arith.constant 7552 : index
      %get3A_1416 = arith.constant 0 : index
      %get3A_1417 = vector.load %arg2[%get3A_1415, %get3A_1416] : memref<8192x128xf32, #tpu.memory_space<vmem>>, vector<128x128xf32>
      %dot_general3A_1418 = arith.constant dense<0.000000e+00> : vector<1024x128xf32>
      %dot_general3A_1419 = tpu.matmul %get3A_3, %get3A_1417, %dot_general3A_1418 {dimension_numbers = #tpu.dot_dimension_numbers<[1], [1], [0], [0], [0, 0, 1, 0], [], []>, transpose_lhs_hint = false} : vector<1024x128xf32>, vector<128x128xf32>, vector<1024x128xf32> -> vector<1024x128xf32>
      %sub3A_1420 = arith.subf %dot_general3A_1419, %max3A_888 : vector<1024x128xf32>
      %exp23A_1421 = math.exp2 %sub3A_1420 : vector<1024x128xf32>
      %add3A_1422 = arith.addf %add3A_1414, %exp23A_1421 : vector<1024x128xf32>
      %get3A_1423 = arith.constant 7680 : index
      %get3A_1424 = arith.constant 0 : index
      %get3A_1425 = vector.load %arg2[%get3A_1423, %get3A_1424] : memref<8192x128xf32, #tpu.memory_space<vmem>>, vector<128x128xf32>
      %dot_general3A_1426 = arith.constant dense<0.000000e+00> : vector<1024x128xf32>
      %dot_general3A_1427 = tpu.matmul %get3A_3, %get3A_1425, %dot_general3A_1426 {dimension_numbers = #tpu.dot_dimension_numbers<[1], [1], [0], [0], [0, 0, 1, 0], [], []>, transpose_lhs_hint = false} : vector<1024x128xf32>, vector<128x128xf32>, vector<1024x128xf32> -> vector<1024x128xf32>
      %sub3A_1428 = arith.subf %dot_general3A_1427, %max3A_888 : vector<1024x128xf32>
      %exp23A_1429 = math.exp2 %sub3A_1428 : vector<1024x128xf32>
      %add3A_1430 = arith.addf %add3A_1422, %exp23A_1429 : vector<1024x128xf32>
      %get3A_1431 = arith.constant 7808 : index
      %get3A_1432 = arith.constant 0 : index
      %get3A_1433 = vector.load %arg2[%get3A_1431, %get3A_1432] : memref<8192x128xf32, #tpu.memory_space<vmem>>, vector<128x128xf32>
      %dot_general3A_1434 = arith.constant dense<0.000000e+00> : vector<1024x128xf32>
      %dot_general3A_1435 = tpu.matmul %get3A_3, %get3A_1433, %dot_general3A_1434 {dimension_numbers = #tpu.dot_dimension_numbers<[1], [1], [0], [0], [0, 0, 1, 0], [], []>, transpose_lhs_hint = false} : vector<1024x128xf32>, vector<128x128xf32>, vector<1024x128xf32> -> vector<1024x128xf32>
      %sub3A_1436 = arith.subf %dot_general3A_1435, %max3A_888 : vector<1024x128xf32>
      %exp23A_1437 = math.exp2 %sub3A_1436 : vector<1024x128xf32>
      %add3A_1438 = arith.addf %add3A_1430, %exp23A_1437 : vector<1024x128xf32>
      %get3A_1439 = arith.constant 7936 : index
      %get3A_1440 = arith.constant 0 : index
      %get3A_1441 = vector.load %arg2[%get3A_1439, %get3A_1440] : memref<8192x128xf32, #tpu.memory_space<vmem>>, vector<128x128xf32>
      %dot_general3A_1442 = arith.constant dense<0.000000e+00> : vector<1024x128xf32>
      %dot_general3A_1443 = tpu.matmul %get3A_3, %get3A_1441, %dot_general3A_1442 {dimension_numbers = #tpu.dot_dimension_numbers<[1], [1], [0], [0], [0, 0, 1, 0], [], []>, transpose_lhs_hint = false} : vector<1024x128xf32>, vector<128x128xf32>, vector<1024x128xf32> -> vector<1024x128xf32>
      %sub3A_1444 = arith.subf %dot_general3A_1443, %max3A_888 : vector<1024x128xf32>
      %exp23A_1445 = math.exp2 %sub3A_1444 : vector<1024x128xf32>
      %add3A_1446 = arith.addf %add3A_1438, %exp23A_1445 : vector<1024x128xf32>
      %get3A_1447 = arith.constant 8064 : index
      %get3A_1448 = arith.constant 0 : index
      %get3A_1449 = vector.load %arg2[%get3A_1447, %get3A_1448] : memref<8192x128xf32, #tpu.memory_space<vmem>>, vector<128x128xf32>
      %dot_general3A_1450 = arith.constant dense<0.000000e+00> : vector<1024x128xf32>
      %dot_general3A_1451 = tpu.matmul %get3A_3, %get3A_1449, %dot_general3A_1450 {dimension_numbers = #tpu.dot_dimension_numbers<[1], [1], [0], [0], [0, 0, 1, 0], [], []>, transpose_lhs_hint = false} : vector<1024x128xf32>, vector<128x128xf32>, vector<1024x128xf32> -> vector<1024x128xf32>
      %sub3A_1452 = arith.subf %dot_general3A_1451, %max3A_888 : vector<1024x128xf32>
      %exp23A_1453 = math.exp2 %sub3A_1452 : vector<1024x128xf32>
      %add3A_1454 = arith.addf %add3A_1446, %exp23A_1453 : vector<1024x128xf32>
      %swap3A_1455 = arith.constant 0 : index
      %swap3A_1456 = arith.constant 0 : index
      %swap3A_1457 = vector.load %arg6[%swap3A_1455, %swap3A_1456] : memref<1024x128xf32, #tpu.memory_space<vmem>>, vector<1024x128xf32>
      tpu.vector_store %arg6[%swap3A_1455, %swap3A_1456], %add3A_1454 {strides = array<i32>} : memref<1024x128xf32, #tpu.memory_space<vmem>>, vector<1024x128xf32>,
    } else {
    }
    %eq3A_8 = arith.constant 12 : i32
    %eq3A_9 = arith.cmpi eq, %arg0, %eq3A_8 : i32
    %convert_element_type3A_10 = arith.extui %eq3A_9 : i1 to i32
    %cond3A_11 = arith.constant 0 : i32
    %cond3A_12 = arith.cmpi ne, %convert_element_type3A_10, %cond3A_11 : i32
    scf.if %cond3A_12 {
      %iota3A = tpu.iota {dimensions = array<i32: 1>} : vector<1024x128xi32>
      %get3A_13 = arith.constant 0 : index
      %get3A_14 = arith.constant 0 : index
      %get3A_15 = vector.load %arg2[%get3A_13, %get3A_14] : memref<8192x128xf32, #tpu.memory_space<vmem>>, vector<128x128xf32>
      %dot_general3A = arith.constant dense<0.000000e+00> : vector<1024x128xf32>
      %dot_general3A_16 = tpu.matmul %get3A_3, %get3A_15, %dot_general3A {dimension_numbers = #tpu.dot_dimension_numbers<[1], [1], [0], [0], [0, 0, 1, 0], [], []>, transpose_lhs_hint = false} : vector<1024x128xf32>, vector<128x128xf32>, vector<1024x128xf32> -> vector<1024x128xf32>
      %get3A_17 = arith.constant 128 : index
      %get3A_18 = arith.constant 0 : index
      %get3A_19 = vector.load %arg2[%get3A_17, %get3A_18] : memref<8192x128xf32, #tpu.memory_space<vmem>>, vector<128x128xf32>
      %dot_general3A_20 = arith.constant dense<0.000000e+00> : vector<1024x128xf32>
      %dot_general3A_21 = tpu.matmul %get3A_3, %get3A_19, %dot_general3A_20 {dimension_numbers = #tpu.dot_dimension_numbers<[1], [1], [0], [0], [0, 0, 1, 0], [], []>, transpose_lhs_hint = false} : vector<1024x128xf32>, vector<128x128xf32>, vector<1024x128xf32> -> vector<1024x128xf32>
      %get3A_22 = arith.constant 256 : index
      %get3A_23 = arith.constant 0 : index
      %get3A_24 = vector.load %arg2[%get3A_22, %get3A_23] : memref<8192x128xf32, #tpu.memory_space<vmem>>, vector<128x128xf32>
      %dot_general3A_25 = arith.constant dense<0.000000e+00> : vector<1024x128xf32>
      %dot_general3A_26 = tpu.matmul %get3A_3, %get3A_24, %dot_general3A_25 {dimension_numbers = #tpu.dot_dimension_numbers<[1], [1], [0], [0], [0, 0, 1, 0], [], []>, transpose_lhs_hint = false} : vector<1024x128xf32>, vector<128x128xf32>, vector<1024x128xf32> -> vector<1024x128xf32>
      %get3A_27 = arith.constant 384 : index
      %get3A_28 = arith.constant 0 : index
      %get3A_29 = vector.load %arg2[%get3A_27, %get3A_28] : memref<8192x128xf32, #tpu.memory_space<vmem>>, vector<128x128xf32>
      %dot_general3A_30 = arith.constant dense<0.000000e+00> : vector<1024x128xf32>
      %dot_general3A_31 = tpu.matmul %get3A_3, %get3A_29, %dot_general3A_30 {dimension_numbers = #tpu.dot_dimension_numbers<[1], [1], [0], [0], [0, 0, 1, 0], [], []>, transpose_lhs_hint = false} : vector<1024x128xf32>, vector<128x128xf32>, vector<1024x128xf32> -> vector<1024x128xf32>
      %get3A_32 = arith.constant 512 : index
      %get3A_33 = arith.constant 0 : index
      %get3A_34 = vector.load %arg2[%get3A_32, %get3A_33] : memref<8192x128xf32, #tpu.memory_space<vmem>>, vector<128x128xf32>
      %dot_general3A_35 = arith.constant dense<0.000000e+00> : vector<1024x128xf32>
      %dot_general3A_36 = tpu.matmul %get3A_3, %get3A_34, %dot_general3A_35 {dimension_numbers = #tpu.dot_dimension_numbers<[1], [1], [0], [0], [0, 0, 1, 0], [], []>, transpose_lhs_hint = false} : vector<1024x128xf32>, vector<128x128xf32>, vector<1024x128xf32> -> vector<1024x128xf32>
      %get3A_37 = arith.constant 640 : index
      %get3A_38 = arith.constant 0 : index
      %get3A_39 = vector.load %arg2[%get3A_37, %get3A_38] : memref<8192x128xf32, #tpu.memory_space<vmem>>, vector<128x128xf32>
      %dot_general3A_40 = arith.constant dense<0.000000e+00> : vector<1024x128xf32>
      %dot_general3A_41 = tpu.matmul %get3A_3, %get3A_39, %dot_general3A_40 {dimension_numbers = #tpu.dot_dimension_numbers<[1], [1], [0], [0], [0, 0, 1, 0], [], []>, transpose_lhs_hint = false} : vector<1024x128xf32>, vector<128x128xf32>, vector<1024x128xf32> -> vector<1024x128xf32>
      %get3A_42 = arith.constant 768 : index
      %get3A_43 = arith.constant 0 : index
      %get3A_44 = vector.load %arg2[%get3A_42, %get3A_43] : memref<8192x128xf32, #tpu.memory_space<vmem>>, vector<128x128xf32>
      %dot_general3A_45 = arith.constant dense<0.000000e+00> : vector<1024x128xf32>
      %dot_general3A_46 = tpu.matmul %get3A_3, %get3A_44, %dot_general3A_45 {dimension_numbers = #tpu.dot_dimension_numbers<[1], [1], [0], [0], [0, 0, 1, 0], [], []>, transpose_lhs_hint = false} : vector<1024x128xf32>, vector<128x128xf32>, vector<1024x128xf32> -> vector<1024x128xf32>
      %get3A_47 = arith.constant 896 : index
      %get3A_48 = arith.constant 0 : index
      %get3A_49 = vector.load %arg2[%get3A_47, %get3A_48] : memref<8192x128xf32, #tpu.memory_space<vmem>>, vector<128x128xf32>
      %dot_general3A_50 = arith.constant dense<0.000000e+00> : vector<1024x128xf32>
      %dot_general3A_51 = tpu.matmul %get3A_3, %get3A_49, %dot_general3A_50 {dimension_numbers = #tpu.dot_dimension_numbers<[1], [1], [0], [0], [0, 0, 1, 0], [], []>, transpose_lhs_hint = false} : vector<1024x128xf32>, vector<128x128xf32>, vector<1024x128xf32> -> vector<1024x128xf32>
      %get3A_52 = arith.constant 1024 : index
      %get3A_53 = arith.constant 0 : index
      %get3A_54 = vector.load %arg2[%get3A_52, %get3A_53] : memref<8192x128xf32, #tpu.memory_space<vmem>>, vector<128x128xf32>
      %dot_general3A_55 = arith.constant dense<0.000000e+00> : vector<1024x128xf32>
      %dot_general3A_56 = tpu.matmul %get3A_3, %get3A_54, %dot_general3A_55 {dimension_numbers = #tpu.dot_dimension_numbers<[1], [1], [0], [0], [0, 0, 1, 0], [], []>, transpose_lhs_hint = false} : vector<1024x128xf32>, vector<128x128xf32>, vector<1024x128xf32> -> vector<1024x128xf32>
      %get3A_57 = arith.constant 1152 : index
      %get3A_58 = arith.constant 0 : index
      %get3A_59 = vector.load %arg2[%get3A_57, %get3A_58] : memref<8192x128xf32, #tpu.memory_space<vmem>>, vector<128x128xf32>
      %dot_general3A_60 = arith.constant dense<0.000000e+00> : vector<1024x128xf32>
      %dot_general3A_61 = tpu.matmul %get3A_3, %get3A_59, %dot_general3A_60 {dimension_numbers = #tpu.dot_dimension_numbers<[1], [1], [0], [0], [0, 0, 1, 0], [], []>, transpose_lhs_hint = false} : vector<1024x128xf32>, vector<128x128xf32>, vector<1024x128xf32> -> vector<1024x128xf32>
      %get3A_62 = arith.constant 1280 : index
      %get3A_63 = arith.constant 0 : index
      %get3A_64 = vector.load %arg2[%get3A_62, %get3A_63] : memref<8192x128xf32, #tpu.memory_space<vmem>>, vector<128x128xf32>
      %dot_general3A_65 = arith.constant dense<0.000000e+00> : vector<1024x128xf32>
      %dot_general3A_66 = tpu.matmul %get3A_3, %get3A_64, %dot_general3A_65 {dimension_numbers = #tpu.dot_dimension_numbers<[1], [1], [0], [0], [0, 0, 1, 0], [], []>, transpose_lhs_hint = false} : vector<1024x128xf32>, vector<128x128xf32>, vector<1024x128xf32> -> vector<1024x128xf32>
      %get3A_67 = arith.constant 1408 : index
      %get3A_68 = arith.constant 0 : index
      %get3A_69 = vector.load %arg2[%get3A_67, %get3A_68] : memref<8192x128xf32, #tpu.memory_space<vmem>>, vector<128x128xf32>
      %dot_general3A_70 = arith.constant dense<0.000000e+00> : vector<1024x128xf32>
      %dot_general3A_71 = tpu.matmul %get3A_3, %get3A_69, %dot_general3A_70 {dimension_numbers = #tpu.dot_dimension_numbers<[1], [1], [0], [0], [0, 0, 1, 0], [], []>, transpose_lhs_hint = false} : vector<1024x128xf32>, vector<128x128xf32>, vector<1024x128xf32> -> vector<1024x128xf32>
      %get3A_72 = arith.constant 1536 : index
      %get3A_73 = arith.constant 0 : index
      %get3A_74 = vector.load %arg2[%get3A_72, %get3A_73] : memref<8192x128xf32, #tpu.memory_space<vmem>>, vector<128x128xf32>
      %dot_general3A_75 = arith.constant dense<0.000000e+00> : vector<1024x128xf32>
      %dot_general3A_76 = tpu.matmul %get3A_3, %get3A_74, %dot_general3A_75 {dimension_numbers = #tpu.dot_dimension_numbers<[1], [1], [0], [0], [0, 0, 1, 0], [], []>, transpose_lhs_hint = false} : vector<1024x128xf32>, vector<128x128xf32>, vector<1024x128xf32> -> vector<1024x128xf32>
      %get3A_77 = arith.constant 1664 : index
      %get3A_78 = arith.constant 0 : index
      %get3A_79 = vector.load %arg2[%get3A_77, %get3A_78] : memref<8192x128xf32, #tpu.memory_space<vmem>>, vector<128x128xf32>
      %dot_general3A_80 = arith.constant dense<0.000000e+00> : vector<1024x128xf32>
      %dot_general3A_81 = tpu.matmul %get3A_3, %get3A_79, %dot_general3A_80 {dimension_numbers = #tpu.dot_dimension_numbers<[1], [1], [0], [0], [0, 0, 1, 0], [], []>, transpose_lhs_hint = false} : vector<1024x128xf32>, vector<128x128xf32>, vector<1024x128xf32> -> vector<1024x128xf32>
      %lt3A_82 = arith.constant 32 : i32
      %lt3A_83 = vector.broadcast %lt3A_82 : i32 to vector<1024x128xi32>
      %lt3A_84 = arith.cmpi slt, %iota3A, %lt3A_83 : vector<1024x128xi32>
      %jit3A = arith.constant -1.000000e+30 : f32
      %broadcast_in_dim3A = vector.broadcast %jit3A : f32 to vector<1024x128xf32>
      %select_n3A = arith.select %lt3A_84, %dot_general3A_81, %broadcast_in_dim3A : vector<1024x128xi1>, vector<1024x128xf32>
      %broadcast_in_dim3A_85 = arith.constant -1.000000e+30 : f32
      %broadcast_in_dim3A_86 = vector.broadcast %broadcast_in_dim3A_85 : f32 to vector<1024x128xf32>
      %broadcast_in_dim3A_87 = arith.constant -1.000000e+30 : f32
      %broadcast_in_dim3A_88 = vector.broadcast %broadcast_in_dim3A_87 : f32 to vector<1024x128xf32>
      %max3A = arith.maximumf %dot_general3A_16, %dot_general3A_21 : vector<1024x128xf32>
      %min3A = arith.minimumf %dot_general3A_16, %dot_general3A_21 : vector<1024x128xf32>
      %max3A_89 = arith.maximumf %dot_general3A_26, %dot_general3A_31 : vector<1024x128xf32>
      %min3A_90 = arith.minimumf %dot_general3A_26, %dot_general3A_31 : vector<1024x128xf32>
      %max3A_91 = arith.maximumf %dot_general3A_36, %dot_general3A_41 : vector<1024x128xf32>
      %min3A_92 = arith.minimumf %dot_general3A_36, %dot_general3A_41 : vector<1024x128xf32>
      %max3A_93 = arith.maximumf %dot_general3A_46, %dot_general3A_51 : vector<1024x128xf32>
      %min3A_94 = arith.minimumf %dot_general3A_46, %dot_general3A_51 : vector<1024x128xf32>
      %max3A_95 = arith.maximumf %dot_general3A_56, %dot_general3A_61 : vector<1024x128xf32>
      %min3A_96 = arith.minimumf %dot_general3A_56, %dot_general3A_61 : vector<1024x128xf32>
      %max3A_97 = arith.maximumf %dot_general3A_66, %dot_general3A_71 : vector<1024x128xf32>
      %min3A_98 = arith.minimumf %dot_general3A_66, %dot_general3A_71 : vector<1024x128xf32>
      %max3A_99 = arith.maximumf %dot_general3A_76, %select_n3A : vector<1024x128xf32>
      %min3A_100 = arith.minimumf %dot_general3A_76, %select_n3A : vector<1024x128xf32>
      %max3A_101 = arith.maximumf %broadcast_in_dim3A_86, %broadcast_in_dim3A_88 : vector<1024x128xf32>
      %min3A_102 = arith.minimumf %broadcast_in_dim3A_86, %broadcast_in_dim3A_88 : vector<1024x128xf32>
      %max3A_103 = arith.maximumf %max3A, %max3A_89 : vector<1024x128xf32>
      %min3A_104 = arith.minimumf %max3A, %max3A_89 : vector<1024x128xf32>
      %max3A_105 = arith.maximumf %min3A, %min3A_90 : vector<1024x128xf32>
      %min3A_106 = arith.minimumf %min3A, %min3A_90 : vector<1024x128xf32>
      %max3A_107 = arith.maximumf %min3A_104, %max3A_105 : vector<1024x128xf32>
      %min3A_108 = arith.minimumf %min3A_104, %max3A_105 : vector<1024x128xf32>
      %max3A_109 = arith.maximumf %max3A_91, %max3A_93 : vector<1024x128xf32>
      %min3A_110 = arith.minimumf %max3A_91, %max3A_93 : vector<1024x128xf32>
      %max3A_111 = arith.maximumf %min3A_92, %min3A_94 : vector<1024x128xf32>
      %min3A_112 = arith.minimumf %min3A_92, %min3A_94 : vector<1024x128xf32>
      %max3A_113 = arith.maximumf %min3A_110, %max3A_111 : vector<1024x128xf32>
      %min3A_114 = arith.minimumf %min3A_110, %max3A_111 : vector<1024x128xf32>
      %max3A_115 = arith.maximumf %max3A_95, %max3A_97 : vector<1024x128xf32>
      %min3A_116 = arith.minimumf %max3A_95, %max3A_97 : vector<1024x128xf32>
      %max3A_117 = arith.maximumf %min3A_96, %min3A_98 : vector<1024x128xf32>
      %min3A_118 = arith.minimumf %min3A_96, %min3A_98 : vector<1024x128xf32>
      %max3A_119 = arith.maximumf %min3A_116, %max3A_117 : vector<1024x128xf32>
      %min3A_120 = arith.minimumf %min3A_116, %max3A_117 : vector<1024x128xf32>
      %max3A_121 = arith.maximumf %max3A_99, %max3A_101 : vector<1024x128xf32>
      %min3A_122 = arith.minimumf %max3A_99, %max3A_101 : vector<1024x128xf32>
      %max3A_123 = arith.maximumf %min3A_100, %min3A_102 : vector<1024x128xf32>
      %min3A_124 = arith.minimumf %min3A_100, %min3A_102 : vector<1024x128xf32>
      %max3A_125 = arith.maximumf %min3A_122, %max3A_123 : vector<1024x128xf32>
      %min3A_126 = arith.minimumf %min3A_122, %max3A_123 : vector<1024x128xf32>
      %max3A_127 = arith.maximumf %max3A_103, %max3A_109 : vector<1024x128xf32>
      %min3A_128 = arith.minimumf %max3A_103, %max3A_109 : vector<1024x128xf32>
      %max3A_129 = arith.maximumf %min3A_108, %min3A_114 : vector<1024x128xf32>
      %min3A_130 = arith.minimumf %min3A_108, %min3A_114 : vector<1024x128xf32>
      %max3A_131 = arith.maximumf %min3A_128, %max3A_129 : vector<1024x128xf32>
      %min3A_132 = arith.minimumf %min3A_128, %max3A_129 : vector<1024x128xf32>
      %max3A_133 = arith.maximumf %max3A_107, %max3A_113 : vector<1024x128xf32>
      %min3A_134 = arith.minimumf %max3A_107, %max3A_113 : vector<1024x128xf32>
      %max3A_135 = arith.maximumf %min3A_106, %min3A_112 : vector<1024x128xf32>
      %max3A_136 = arith.maximumf %min3A_134, %max3A_135 : vector<1024x128xf32>
      %min3A_137 = arith.minimumf %min3A_134, %max3A_135 : vector<1024x128xf32>
      %max3A_138 = arith.maximumf %max3A_131, %max3A_133 : vector<1024x128xf32>
      %min3A_139 = arith.minimumf %max3A_131, %max3A_133 : vector<1024x128xf32>
      %max3A_140 = arith.maximumf %min3A_132, %max3A_136 : vector<1024x128xf32>
      %min3A_141 = arith.minimumf %min3A_132, %max3A_136 : vector<1024x128xf32>
      %max3A_142 = arith.maximumf %min3A_130, %min3A_137 : vector<1024x128xf32>
      %max3A_143 = arith.maximumf %max3A_115, %max3A_121 : vector<1024x128xf32>
      %min3A_144 = arith.minimumf %max3A_115, %max3A_121 : vector<1024x128xf32>
      %max3A_145 = arith.maximumf %min3A_120, %min3A_126 : vector<1024x128xf32>
      %min3A_146 = arith.minimumf %min3A_120, %min3A_126 : vector<1024x128xf32>
      %max3A_147 = arith.maximumf %min3A_144, %max3A_145 : vector<1024x128xf32>
      %min3A_148 = arith.minimumf %min3A_144, %max3A_145 : vector<1024x128xf32>
      %max3A_149 = arith.maximumf %max3A_119, %max3A_125 : vector<1024x128xf32>
      %min3A_150 = arith.minimumf %max3A_119, %max3A_125 : vector<1024x128xf32>
      %max3A_151 = arith.maximumf %min3A_118, %min3A_124 : vector<1024x128xf32>
      %max3A_152 = arith.maximumf %min3A_150, %max3A_151 : vector<1024x128xf32>
      %min3A_153 = arith.minimumf %min3A_150, %max3A_151 : vector<1024x128xf32>
      %max3A_154 = arith.maximumf %max3A_147, %max3A_149 : vector<1024x128xf32>
      %min3A_155 = arith.minimumf %max3A_147, %max3A_149 : vector<1024x128xf32>
      %max3A_156 = arith.maximumf %min3A_148, %max3A_152 : vector<1024x128xf32>
      %min3A_157 = arith.minimumf %min3A_148, %max3A_152 : vector<1024x128xf32>
      %max3A_158 = arith.maximumf %min3A_146, %min3A_153 : vector<1024x128xf32>
      %max3A_159 = arith.maximumf %max3A_127, %max3A_143 : vector<1024x128xf32>
      %min3A_160 = arith.minimumf %max3A_127, %max3A_143 : vector<1024x128xf32>
      %max3A_161 = arith.maximumf %max3A_138, %min3A_160 : vector<1024x128xf32>
      %max3A_162 = arith.maximumf %max3A_161, %max3A_154 : vector<1024x128xf32>
      %min3A_163 = arith.minimumf %max3A_138, %max3A_143 : vector<1024x128xf32>
      %min3A_164 = arith.minimumf %max3A_127, %max3A_154 : vector<1024x128xf32>
      %max3A_165 = arith.maximumf %min3A_139, %min3A_163 : vector<1024x128xf32>
      %max3A_166 = arith.maximumf %max3A_165, %min3A_164 : vector<1024x128xf32>
      %max3A_167 = arith.maximumf %max3A_166, %min3A_155 : vector<1024x128xf32>
      %min3A_168 = arith.minimumf %min3A_139, %max3A_143 : vector<1024x128xf32>
      %min3A_169 = arith.minimumf %max3A_138, %max3A_154 : vector<1024x128xf32>
      %min3A_170 = arith.minimumf %max3A_127, %min3A_155 : vector<1024x128xf32>
      %max3A_171 = arith.maximumf %max3A_140, %min3A_168 : vector<1024x128xf32>
      %max3A_172 = arith.maximumf %max3A_171, %min3A_169 : vector<1024x128xf32>
      %max3A_173 = arith.maximumf %max3A_172, %min3A_170 : vector<1024x128xf32>
      %max3A_174 = arith.maximumf %max3A_173, %max3A_156 : vector<1024x128xf32>
      %min3A_175 = arith.minimumf %max3A_140, %max3A_143 : vector<1024x128xf32>
      %min3A_176 = arith.minimumf %min3A_139, %max3A_154 : vector<1024x128xf32>
      %min3A_177 = arith.minimumf %max3A_138, %min3A_155 : vector<1024x128xf32>
      %min3A_178 = arith.minimumf %max3A_127, %max3A_156 : vector<1024x128xf32>
      %max3A_179 = arith.maximumf %min3A_141, %min3A_175 : vector<1024x128xf32>
      %max3A_180 = arith.maximumf %max3A_179, %min3A_176 : vector<1024x128xf32>
      %max3A_181 = arith.maximumf %max3A_180, %min3A_177 : vector<1024x128xf32>
      %max3A_182 = arith.maximumf %max3A_181, %min3A_178 : vector<1024x128xf32>
      %max3A_183 = arith.maximumf %max3A_182, %min3A_157 : vector<1024x128xf32>
      %min3A_184 = arith.minimumf %min3A_141, %max3A_143 : vector<1024x128xf32>
      %min3A_185 = arith.minimumf %max3A_140, %max3A_154 : vector<1024x128xf32>
      %min3A_186 = arith.minimumf %min3A_139, %min3A_155 : vector<1024x128xf32>
      %min3A_187 = arith.minimumf %max3A_138, %max3A_156 : vector<1024x128xf32>
      %min3A_188 = arith.minimumf %max3A_127, %min3A_157 : vector<1024x128xf32>
      %max3A_189 = arith.maximumf %max3A_142, %min3A_184 : vector<1024x128xf32>
      %max3A_190 = arith.maximumf %max3A_189, %min3A_185 : vector<1024x128xf32>
      %max3A_191 = arith.maximumf %max3A_190, %min3A_186 : vector<1024x128xf32>
      %max3A_192 = arith.maximumf %max3A_191, %min3A_187 : vector<1024x128xf32>
      %max3A_193 = arith.maximumf %max3A_192, %min3A_188 : vector<1024x128xf32>
      %max3A_194 = arith.maximumf %max3A_193, %max3A_158 : vector<1024x128xf32>
      %get3A_195 = arith.constant 0 : index
      %get3A_196 = arith.constant 0 : index
      %get3A_197 = vector.load %arg5[%get3A_195, %get3A_196] : memref<1024x768xf32, #tpu.memory_space<vmem>>, vector<1024x128xf32>
      %get3A_198 = arith.constant 0 : index
      %get3A_199 = arith.constant 128 : index
      %get3A_200 = vector.load %arg5[%get3A_198, %get3A_199] : memref<1024x768xf32, #tpu.memory_space<vmem>>, vector<1024x128xf32>
      %get3A_201 = arith.constant 0 : index
      %get3A_202 = arith.constant 256 : index
      %get3A_203 = vector.load %arg5[%get3A_201, %get3A_202] : memref<1024x768xf32, #tpu.memory_space<vmem>>, vector<1024x128xf32>
      %get3A_204 = arith.constant 0 : index
      %get3A_205 = arith.constant 384 : index
      %get3A_206 = vector.load %arg5[%get3A_204, %get3A_205] : memref<1024x768xf32, #tpu.memory_space<vmem>>, vector<1024x128xf32>
      %get3A_207 = arith.constant 0 : index
      %get3A_208 = arith.constant 512 : index
      %get3A_209 = vector.load %arg5[%get3A_207, %get3A_208] : memref<1024x768xf32, #tpu.memory_space<vmem>>, vector<1024x128xf32>
      %get3A_210 = arith.constant 0 : index
      %get3A_211 = arith.constant 640 : index
      %get3A_212 = vector.load %arg5[%get3A_210, %get3A_211] : memref<1024x768xf32, #tpu.memory_space<vmem>>, vector<1024x128xf32>
      %max3A_213 = arith.maximumf %get3A_197, %max3A_159 : vector<1024x128xf32>
      %min3A_214 = arith.minimumf %get3A_197, %max3A_159 : vector<1024x128xf32>
      %max3A_215 = arith.maximumf %get3A_200, %min3A_214 : vector<1024x128xf32>
      %max3A_216 = arith.maximumf %max3A_215, %max3A_162 : vector<1024x128xf32>
      %min3A_217 = arith.minimumf %get3A_200, %max3A_159 : vector<1024x128xf32>
      %min3A_218 = arith.minimumf %get3A_197, %max3A_162 : vector<1024x128xf32>
      %max3A_219 = arith.maximumf %get3A_203, %min3A_217 : vector<1024x128xf32>
      %max3A_220 = arith.maximumf %max3A_219, %min3A_218 : vector<1024x128xf32>
      %max3A_221 = arith.maximumf %max3A_220, %max3A_167 : vector<1024x128xf32>
      %min3A_222 = arith.minimumf %get3A_203, %max3A_159 : vector<1024x128xf32>
      %min3A_223 = arith.minimumf %get3A_200, %max3A_162 : vector<1024x128xf32>
      %min3A_224 = arith.minimumf %get3A_197, %max3A_167 : vector<1024x128xf32>
      %max3A_225 = arith.maximumf %get3A_206, %min3A_222 : vector<1024x128xf32>
      %max3A_226 = arith.maximumf %max3A_225, %min3A_223 : vector<1024x128xf32>
      %max3A_227 = arith.maximumf %max3A_226, %min3A_224 : vector<1024x128xf32>
      %max3A_228 = arith.maximumf %max3A_227, %max3A_174 : vector<1024x128xf32>
      %min3A_229 = arith.minimumf %get3A_206, %max3A_159 : vector<1024x128xf32>
      %min3A_230 = arith.minimumf %get3A_203, %max3A_162 : vector<1024x128xf32>
      %min3A_231 = arith.minimumf %get3A_200, %max3A_167 : vector<1024x128xf32>
      %min3A_232 = arith.minimumf %get3A_197, %max3A_174 : vector<1024x128xf32>
      %max3A_233 = arith.maximumf %get3A_209, %min3A_229 : vector<1024x128xf32>
      %max3A_234 = arith.maximumf %max3A_233, %min3A_230 : vector<1024x128xf32>
      %max3A_235 = arith.maximumf %max3A_234, %min3A_231 : vector<1024x128xf32>
      %max3A_236 = arith.maximumf %max3A_235, %min3A_232 : vector<1024x128xf32>
      %max3A_237 = arith.maximumf %max3A_236, %max3A_183 : vector<1024x128xf32>
      %min3A_238 = arith.minimumf %get3A_209, %max3A_159 : vector<1024x128xf32>
      %min3A_239 = arith.minimumf %get3A_206, %max3A_162 : vector<1024x128xf32>
      %min3A_240 = arith.minimumf %get3A_203, %max3A_167 : vector<1024x128xf32>
      %min3A_241 = arith.minimumf %get3A_200, %max3A_174 : vector<1024x128xf32>
      %min3A_242 = arith.minimumf %get3A_197, %max3A_183 : vector<1024x128xf32>
      %max3A_243 = arith.maximumf %get3A_212, %min3A_238 : vector<1024x128xf32>
      %max3A_244 = arith.maximumf %max3A_243, %min3A_239 : vector<1024x128xf32>
      %max3A_245 = arith.maximumf %max3A_244, %min3A_240 : vector<1024x128xf32>
      %max3A_246 = arith.maximumf %max3A_245, %min3A_241 : vector<1024x128xf32>
      %max3A_247 = arith.maximumf %max3A_246, %min3A_242 : vector<1024x128xf32>
      %max3A_248 = arith.maximumf %max3A_247, %max3A_194 : vector<1024x128xf32>
      %swap3A = arith.constant 0 : index
      %swap3A_249 = arith.constant 0 : index
      %swap3A_250 = vector.load %arg5[%swap3A, %swap3A_249] : memref<1024x768xf32, #tpu.memory_space<vmem>>, vector<1024x128xf32>
      tpu.vector_store %arg5[%swap3A, %swap3A_249], %max3A_213 {strides = array<i32>} : memref<1024x768xf32, #tpu.memory_space<vmem>>, vector<1024x128xf32>,
      %swap3A_251 = arith.constant 0 : index
      %swap3A_252 = arith.constant 128 : index
      %swap3A_253 = vector.load %arg5[%swap3A_251, %swap3A_252] : memref<1024x768xf32, #tpu.memory_space<vmem>>, vector<1024x128xf32>
      tpu.vector_store %arg5[%swap3A_251, %swap3A_252], %max3A_216 {strides = array<i32>} : memref<1024x768xf32, #tpu.memory_space<vmem>>, vector<1024x128xf32>,
      %swap3A_254 = arith.constant 0 : index
      %swap3A_255 = arith.constant 256 : index
      %swap3A_256 = vector.load %arg5[%swap3A_254, %swap3A_255] : memref<1024x768xf32, #tpu.memory_space<vmem>>, vector<1024x128xf32>
      tpu.vector_store %arg5[%swap3A_254, %swap3A_255], %max3A_221 {strides = array<i32>} : memref<1024x768xf32, #tpu.memory_space<vmem>>, vector<1024x128xf32>,
      %swap3A_257 = arith.constant 0 : index
      %swap3A_258 = arith.constant 384 : index
      %swap3A_259 = vector.load %arg5[%swap3A_257, %swap3A_258] : memref<1024x768xf32, #tpu.memory_space<vmem>>, vector<1024x128xf32>
      tpu.vector_store %arg5[%swap3A_257, %swap3A_258], %max3A_228 {strides = array<i32>} : memref<1024x768xf32, #tpu.memory_space<vmem>>, vector<1024x128xf32>,
      %swap3A_260 = arith.constant 0 : index
      %swap3A_261 = arith.constant 512 : index
      %swap3A_262 = vector.load %arg5[%swap3A_260, %swap3A_261] : memref<1024x768xf32, #tpu.memory_space<vmem>>, vector<1024x128xf32>
      tpu.vector_store %arg5[%swap3A_260, %swap3A_261], %max3A_237 {strides = array<i32>} : memref<1024x768xf32, #tpu.memory_space<vmem>>, vector<1024x128xf32>,
      %swap3A_263 = arith.constant 0 : index
      %swap3A_264 = arith.constant 640 : index
      %swap3A_265 = vector.load %arg5[%swap3A_263, %swap3A_264] : memref<1024x768xf32, #tpu.memory_space<vmem>>, vector<1024x128xf32>
      tpu.vector_store %arg5[%swap3A_263, %swap3A_264], %max3A_248 {strides = array<i32>} : memref<1024x768xf32, #tpu.memory_space<vmem>>, vector<1024x128xf32>,
      %get3A_266 = arith.constant 0 : index
      %get3A_267 = arith.constant 0 : index
      %get3A_268 = vector.load %arg6[%get3A_266, %get3A_267] : memref<1024x128xf32, #tpu.memory_space<vmem>>, vector<1024x128xf32>
      %sub3A = arith.subf %get3A_197, %max3A_213 : vector<1024x128xf32>
      %exp23A = math.exp2 %sub3A : vector<1024x128xf32>
      %mul3A = arith.mulf %get3A_268, %exp23A : vector<1024x128xf32>
      %get3A_269 = arith.constant 0 : index
      %get3A_270 = arith.constant 0 : index
      %get3A_271 = vector.load %arg2[%get3A_269, %get3A_270] : memref<8192x128xf32, #tpu.memory_space<vmem>>, vector<128x128xf32>
      %dot_general3A_272 = arith.constant dense<0.000000e+00> : vector<1024x128xf32>
      %dot_general3A_273 = tpu.matmul %get3A_3, %get3A_271, %dot_general3A_272 {dimension_numbers = #tpu.dot_dimension_numbers<[1], [1], [0], [0], [0, 0, 1, 0], [], []>, transpose_lhs_hint = false} : vector<1024x128xf32>, vector<128x128xf32>, vector<1024x128xf32> -> vector<1024x128xf32>
      %sub3A_274 = arith.subf %dot_general3A_273, %max3A_213 : vector<1024x128xf32>
      %exp23A_275 = math.exp2 %sub3A_274 : vector<1024x128xf32>
      %add3A = arith.addf %mul3A, %exp23A_275 : vector<1024x128xf32>
      %get3A_276 = arith.constant 128 : index
      %get3A_277 = arith.constant 0 : index
      %get3A_278 = vector.load %arg2[%get3A_276, %get3A_277] : memref<8192x128xf32, #tpu.memory_space<vmem>>, vector<128x128xf32>
      %dot_general3A_279 = arith.constant dense<0.000000e+00> : vector<1024x128xf32>
      %dot_general3A_280 = tpu.matmul %get3A_3, %get3A_278, %dot_general3A_279 {dimension_numbers = #tpu.dot_dimension_numbers<[1], [1], [0], [0], [0, 0, 1, 0], [], []>, transpose_lhs_hint = false} : vector<1024x128xf32>, vector<128x128xf32>, vector<1024x128xf32> -> vector<1024x128xf32>
      %sub3A_281 = arith.subf %dot_general3A_280, %max3A_213 : vector<1024x128xf32>
      %exp23A_282 = math.exp2 %sub3A_281 : vector<1024x128xf32>
      %add3A_283 = arith.addf %add3A, %exp23A_282 : vector<1024x128xf32>
      %get3A_284 = arith.constant 256 : index
      %get3A_285 = arith.constant 0 : index
      %get3A_286 = vector.load %arg2[%get3A_284, %get3A_285] : memref<8192x128xf32, #tpu.memory_space<vmem>>, vector<128x128xf32>
      %dot_general3A_287 = arith.constant dense<0.000000e+00> : vector<1024x128xf32>
      %dot_general3A_288 = tpu.matmul %get3A_3, %get3A_286, %dot_general3A_287 {dimension_numbers = #tpu.dot_dimension_numbers<[1], [1], [0], [0], [0, 0, 1, 0], [], []>, transpose_lhs_hint = false} : vector<1024x128xf32>, vector<128x128xf32>, vector<1024x128xf32> -> vector<1024x128xf32>
      %sub3A_289 = arith.subf %dot_general3A_288, %max3A_213 : vector<1024x128xf32>
      %exp23A_290 = math.exp2 %sub3A_289 : vector<1024x128xf32>
      %add3A_291 = arith.addf %add3A_283, %exp23A_290 : vector<1024x128xf32>
      %get3A_292 = arith.constant 384 : index
      %get3A_293 = arith.constant 0 : index
      %get3A_294 = vector.load %arg2[%get3A_292, %get3A_293] : memref<8192x128xf32, #tpu.memory_space<vmem>>, vector<128x128xf32>
      %dot_general3A_295 = arith.constant dense<0.000000e+00> : vector<1024x128xf32>
      %dot_general3A_296 = tpu.matmul %get3A_3, %get3A_294, %dot_general3A_295 {dimension_numbers = #tpu.dot_dimension_numbers<[1], [1], [0], [0], [0, 0, 1, 0], [], []>, transpose_lhs_hint = false} : vector<1024x128xf32>, vector<128x128xf32>, vector<1024x128xf32> -> vector<1024x128xf32>
      %sub3A_297 = arith.subf %dot_general3A_296, %max3A_213 : vector<1024x128xf32>
      %exp23A_298 = math.exp2 %sub3A_297 : vector<1024x128xf32>
      %add3A_299 = arith.addf %add3A_291, %exp23A_298 : vector<1024x128xf32>
      %get3A_300 = arith.constant 512 : index
      %get3A_301 = arith.constant 0 : index
      %get3A_302 = vector.load %arg2[%get3A_300, %get3A_301] : memref<8192x128xf32, #tpu.memory_space<vmem>>, vector<128x128xf32>
      %dot_general3A_303 = arith.constant dense<0.000000e+00> : vector<1024x128xf32>
      %dot_general3A_304 = tpu.matmul %get3A_3, %get3A_302, %dot_general3A_303 {dimension_numbers = #tpu.dot_dimension_numbers<[1], [1], [0], [0], [0, 0, 1, 0], [], []>, transpose_lhs_hint = false} : vector<1024x128xf32>, vector<128x128xf32>, vector<1024x128xf32> -> vector<1024x128xf32>
      %sub3A_305 = arith.subf %dot_general3A_304, %max3A_213 : vector<1024x128xf32>
      %exp23A_306 = math.exp2 %sub3A_305 : vector<1024x128xf32>
      %add3A_307 = arith.addf %add3A_299, %exp23A_306 : vector<1024x128xf32>
      %get3A_308 = arith.constant 640 : index
      %get3A_309 = arith.constant 0 : index
      %get3A_310 = vector.load %arg2[%get3A_308, %get3A_309] : memref<8192x128xf32, #tpu.memory_space<vmem>>, vector<128x128xf32>
      %dot_general3A_311 = arith.constant dense<0.000000e+00> : vector<1024x128xf32>
      %dot_general3A_312 = tpu.matmul %get3A_3, %get3A_310, %dot_general3A_311 {dimension_numbers = #tpu.dot_dimension_numbers<[1], [1], [0], [0], [0, 0, 1, 0], [], []>, transpose_lhs_hint = false} : vector<1024x128xf32>, vector<128x128xf32>, vector<1024x128xf32> -> vector<1024x128xf32>
      %sub3A_313 = arith.subf %dot_general3A_312, %max3A_213 : vector<1024x128xf32>
      %exp23A_314 = math.exp2 %sub3A_313 : vector<1024x128xf32>
      %add3A_315 = arith.addf %add3A_307, %exp23A_314 : vector<1024x128xf32>
      %get3A_316 = arith.constant 768 : index
      %get3A_317 = arith.constant 0 : index
      %get3A_318 = vector.load %arg2[%get3A_316, %get3A_317] : memref<8192x128xf32, #tpu.memory_space<vmem>>, vector<128x128xf32>
      %dot_general3A_319 = arith.constant dense<0.000000e+00> : vector<1024x128xf32>
      %dot_general3A_320 = tpu.matmul %get3A_3, %get3A_318, %dot_general3A_319 {dimension_numbers = #tpu.dot_dimension_numbers<[1], [1], [0], [0], [0, 0, 1, 0], [], []>, transpose_lhs_hint = false} : vector<1024x128xf32>, vector<128x128xf32>, vector<1024x128xf32> -> vector<1024x128xf32>
      %sub3A_321 = arith.subf %dot_general3A_320, %max3A_213 : vector<1024x128xf32>
      %exp23A_322 = math.exp2 %sub3A_321 : vector<1024x128xf32>
      %add3A_323 = arith.addf %add3A_315, %exp23A_322 : vector<1024x128xf32>
      %get3A_324 = arith.constant 896 : index
      %get3A_325 = arith.constant 0 : index
      %get3A_326 = vector.load %arg2[%get3A_324, %get3A_325] : memref<8192x128xf32, #tpu.memory_space<vmem>>, vector<128x128xf32>
      %dot_general3A_327 = arith.constant dense<0.000000e+00> : vector<1024x128xf32>
      %dot_general3A_328 = tpu.matmul %get3A_3, %get3A_326, %dot_general3A_327 {dimension_numbers = #tpu.dot_dimension_numbers<[1], [1], [0], [0], [0, 0, 1, 0], [], []>, transpose_lhs_hint = false} : vector<1024x128xf32>, vector<128x128xf32>, vector<1024x128xf32> -> vector<1024x128xf32>
      %sub3A_329 = arith.subf %dot_general3A_328, %max3A_213 : vector<1024x128xf32>
      %exp23A_330 = math.exp2 %sub3A_329 : vector<1024x128xf32>
      %add3A_331 = arith.addf %add3A_323, %exp23A_330 : vector<1024x128xf32>
      %get3A_332 = arith.constant 1024 : index
      %get3A_333 = arith.constant 0 : index
      %get3A_334 = vector.load %arg2[%get3A_332, %get3A_333] : memref<8192x128xf32, #tpu.memory_space<vmem>>, vector<128x128xf32>
      %dot_general3A_335 = arith.constant dense<0.000000e+00> : vector<1024x128xf32>
      %dot_general3A_336 = tpu.matmul %get3A_3, %get3A_334, %dot_general3A_335 {dimension_numbers = #tpu.dot_dimension_numbers<[1], [1], [0], [0], [0, 0, 1, 0], [], []>, transpose_lhs_hint = false} : vector<1024x128xf32>, vector<128x128xf32>, vector<1024x128xf32> -> vector<1024x128xf32>
      %sub3A_337 = arith.subf %dot_general3A_336, %max3A_213 : vector<1024x128xf32>
      %exp23A_338 = math.exp2 %sub3A_337 : vector<1024x128xf32>
      %add3A_339 = arith.addf %add3A_331, %exp23A_338 : vector<1024x128xf32>
      %get3A_340 = arith.constant 1152 : index
      %get3A_341 = arith.constant 0 : index
      %get3A_342 = vector.load %arg2[%get3A_340, %get3A_341] : memref<8192x128xf32, #tpu.memory_space<vmem>>, vector<128x128xf32>
      %dot_general3A_343 = arith.constant dense<0.000000e+00> : vector<1024x128xf32>
      %dot_general3A_344 = tpu.matmul %get3A_3, %get3A_342, %dot_general3A_343 {dimension_numbers = #tpu.dot_dimension_numbers<[1], [1], [0], [0], [0, 0, 1, 0], [], []>, transpose_lhs_hint = false} : vector<1024x128xf32>, vector<128x128xf32>, vector<1024x128xf32> -> vector<1024x128xf32>
      %sub3A_345 = arith.subf %dot_general3A_344, %max3A_213 : vector<1024x128xf32>
      %exp23A_346 = math.exp2 %sub3A_345 : vector<1024x128xf32>
      %add3A_347 = arith.addf %add3A_339, %exp23A_346 : vector<1024x128xf32>
      %get3A_348 = arith.constant 1280 : index
      %get3A_349 = arith.constant 0 : index
      %get3A_350 = vector.load %arg2[%get3A_348, %get3A_349] : memref<8192x128xf32, #tpu.memory_space<vmem>>, vector<128x128xf32>
      %dot_general3A_351 = arith.constant dense<0.000000e+00> : vector<1024x128xf32>
      %dot_general3A_352 = tpu.matmul %get3A_3, %get3A_350, %dot_general3A_351 {dimension_numbers = #tpu.dot_dimension_numbers<[1], [1], [0], [0], [0, 0, 1, 0], [], []>, transpose_lhs_hint = false} : vector<1024x128xf32>, vector<128x128xf32>, vector<1024x128xf32> -> vector<1024x128xf32>
      %sub3A_353 = arith.subf %dot_general3A_352, %max3A_213 : vector<1024x128xf32>
      %exp23A_354 = math.exp2 %sub3A_353 : vector<1024x128xf32>
      %add3A_355 = arith.addf %add3A_347, %exp23A_354 : vector<1024x128xf32>
      %get3A_356 = arith.constant 1408 : index
      %get3A_357 = arith.constant 0 : index
      %get3A_358 = vector.load %arg2[%get3A_356, %get3A_357] : memref<8192x128xf32, #tpu.memory_space<vmem>>, vector<128x128xf32>
      %dot_general3A_359 = arith.constant dense<0.000000e+00> : vector<1024x128xf32>
      %dot_general3A_360 = tpu.matmul %get3A_3, %get3A_358, %dot_general3A_359 {dimension_numbers = #tpu.dot_dimension_numbers<[1], [1], [0], [0], [0, 0, 1, 0], [], []>, transpose_lhs_hint = false} : vector<1024x128xf32>, vector<128x128xf32>, vector<1024x128xf32> -> vector<1024x128xf32>
      %sub3A_361 = arith.subf %dot_general3A_360, %max3A_213 : vector<1024x128xf32>
      %exp23A_362 = math.exp2 %sub3A_361 : vector<1024x128xf32>
      %add3A_363 = arith.addf %add3A_355, %exp23A_362 : vector<1024x128xf32>
      %get3A_364 = arith.constant 1536 : index
      %get3A_365 = arith.constant 0 : index
      %get3A_366 = vector.load %arg2[%get3A_364, %get3A_365] : memref<8192x128xf32, #tpu.memory_space<vmem>>, vector<128x128xf32>
      %dot_general3A_367 = arith.constant dense<0.000000e+00> : vector<1024x128xf32>
      %dot_general3A_368 = tpu.matmul %get3A_3, %get3A_366, %dot_general3A_367 {dimension_numbers = #tpu.dot_dimension_numbers<[1], [1], [0], [0], [0, 0, 1, 0], [], []>, transpose_lhs_hint = false} : vector<1024x128xf32>, vector<128x128xf32>, vector<1024x128xf32> -> vector<1024x128xf32>
      %sub3A_369 = arith.subf %dot_general3A_368, %max3A_213 : vector<1024x128xf32>
      %exp23A_370 = math.exp2 %sub3A_369 : vector<1024x128xf32>
      %add3A_371 = arith.addf %add3A_363, %exp23A_370 : vector<1024x128xf32>
      %get3A_372 = arith.constant 1664 : index
      %get3A_373 = arith.constant 0 : index
      %get3A_374 = vector.load %arg2[%get3A_372, %get3A_373] : memref<8192x128xf32, #tpu.memory_space<vmem>>, vector<128x128xf32>
      %dot_general3A_375 = arith.constant dense<0.000000e+00> : vector<1024x128xf32>
      %dot_general3A_376 = tpu.matmul %get3A_3, %get3A_374, %dot_general3A_375 {dimension_numbers = #tpu.dot_dimension_numbers<[1], [1], [0], [0], [0, 0, 1, 0], [], []>, transpose_lhs_hint = false} : vector<1024x128xf32>, vector<128x128xf32>, vector<1024x128xf32> -> vector<1024x128xf32>
      %lt3A_377 = arith.constant 32 : i32
      %lt3A_378 = vector.broadcast %lt3A_377 : i32 to vector<1024x128xi32>
      %lt3A_379 = arith.cmpi slt, %iota3A, %lt3A_378 : vector<1024x128xi32>
      %jit3A_380 = arith.constant -1.000000e+30 : f32
      %broadcast_in_dim3A_381 = vector.broadcast %jit3A_380 : f32 to vector<1024x128xf32>
      %select_n3A_382 = arith.select %lt3A_379, %dot_general3A_376, %broadcast_in_dim3A_381 : vector<1024x128xi1>, vector<1024x128xf32>
      %sub3A_383 = arith.subf %select_n3A_382, %max3A_213 : vector<1024x128xf32>
      %exp23A_384 = math.exp2 %sub3A_383 : vector<1024x128xf32>
      %add3A_385 = arith.addf %add3A_371, %exp23A_384 : vector<1024x128xf32>
      %swap3A_386 = arith.constant 0 : index
      %swap3A_387 = arith.constant 0 : index
      %swap3A_388 = vector.load %arg6[%swap3A_386, %swap3A_387] : memref<1024x128xf32, #tpu.memory_space<vmem>>, vector<1024x128xf32>
      tpu.vector_store %arg6[%swap3A_386, %swap3A_387], %add3A_385 {strides = array<i32>} : memref<1024x128xf32, #tpu.memory_space<vmem>>, vector<1024x128xf32>,
      %get3A_389 = arith.constant 0 : index
      %get3A_390 = arith.constant 0 : index
      %get3A_391 = vector.load %arg3[%get3A_389, %get3A_390] : memref<1024x128xf32, #tpu.memory_space<vmem>>, vector<1024x128xf32>
      %mul3A_392 = arith.mulf %get3A_3, %get3A_391 : vector<1024x128xf32>
      %reduce_sum3A = arith.constant dense<0.000000e+00> : vector<1024xf32>
      %reduce_sum3A_393 = vector.multi_reduction <add>, %mul3A_392, %reduce_sum3A [1] : vector<1024x128xf32> to vector<1024xf32>
      %broadcast_in_dim3A_394 = vector.shape_cast %reduce_sum3A_393 : vector<1024xf32> to vector<1024x1xf32>
      %reduce_max3A = arith.constant dense<0xFF800000> : vector<1024xf32>
      %reduce_max3A_395 = vector.multi_reduction <maximumf>, %max3A_213, %reduce_max3A [1] : vector<1024x128xf32> to vector<1024xf32>
      %broadcast_in_dim3A_396 = vector.shape_cast %reduce_max3A_395 : vector<1024xf32> to vector<1024x1xf32>
      %sub3A_397 = vector.broadcast %broadcast_in_dim3A_396 : vector<1024x1xf32> to vector<1024x128xf32>
      %sub3A_398 = arith.subf %max3A_213, %sub3A_397 : vector<1024x128xf32>
      %exp23A_399 = math.exp2 %sub3A_398 : vector<1024x128xf32>
      %mul3A_400 = arith.mulf %add3A_385, %exp23A_399 : vector<1024x128xf32>
      %reduce_sum3A_401 = arith.constant dense<0.000000e+00> : vector<1024xf32>
      %reduce_sum3A_402 = vector.multi_reduction <add>, %mul3A_400, %reduce_sum3A_401 [1] : vector<1024x128xf32> to vector<1024xf32>
      %broadcast_in_dim3A_403 = vector.shape_cast %reduce_sum3A_402 : vector<1024xf32> to vector<1024x1xf32>
      %log3A = math.log %broadcast_in_dim3A_403 : vector<1024x1xf32>
      %log3A_404 = arith.constant 2.000000e+00 : f32
      %log3A_405 = math.log %log3A_404 : f32
      %div3A = vector.broadcast %log3A_405 : f32 to vector<1024x1xf32>
      %div3A_406 = arith.divf %log3A, %div3A : vector<1024x1xf32>
      %add3A_407 = arith.addf %broadcast_in_dim3A_396, %div3A_406 : vector<1024x1xf32>
      %get3A_408 = arith.constant 0 : index
      %get3A_409 = arith.constant 0 : index
      %get3A_410 = vector.load %arg5[%get3A_408, %get3A_409] : memref<1024x768xf32, #tpu.memory_space<vmem>>, vector<1024x768xf32>
      %broadcast_in_dim3A_411 = arith.constant 0.000000e+00 : f32
      %broadcast_in_dim3A_412 = vector.broadcast %broadcast_in_dim3A_411 : f32 to vector<1024x1xf32>
      %reduce_max3A_413 = arith.constant dense<0xFF800000> : vector<1024xf32>
      %reduce_max3A_414 = vector.multi_reduction <maximumf>, %get3A_410, %reduce_max3A_413 [1] : vector<1024x768xf32> to vector<1024xf32>
      %broadcast_in_dim3A_415 = vector.shape_cast %reduce_max3A_414 : vector<1024xf32> to vector<1024x1xf32>
      %add3A_416 = arith.addf %broadcast_in_dim3A_412, %broadcast_in_dim3A_415 : vector<1024x1xf32>
      %eq3A_417 = vector.broadcast %broadcast_in_dim3A_415 : vector<1024x1xf32> to vector<1024x768xf32>
      %eq3A_418 = arith.cmpf oeq, %get3A_410, %eq3A_417 : vector<1024x768xf32>
      %jit3A_419 = arith.constant -1.000000e+30 : f32
      %broadcast_in_dim3A_420 = vector.broadcast %jit3A_419 : f32 to vector<1024x768xf32>
      %select_n3A_421 = arith.select %eq3A_418, %broadcast_in_dim3A_420, %get3A_410 : vector<1024x768xi1>, vector<1024x768xf32>
      %reduce_max3A_422 = arith.constant dense<0xFF800000> : vector<1024xf32>
      %reduce_max3A_423 = vector.multi_reduction <maximumf>, %select_n3A_421, %reduce_max3A_422 [1] : vector<1024x768xf32> to vector<1024xf32>
      %broadcast_in_dim3A_424 = vector.shape_cast %reduce_max3A_423 : vector<1024xf32> to vector<1024x1xf32>
      %add3A_425 = arith.addf %add3A_416, %broadcast_in_dim3A_424 : vector<1024x1xf32>
      %eq3A_426 = vector.broadcast %broadcast_in_dim3A_424 : vector<1024x1xf32> to vector<1024x768xf32>
      %eq3A_427 = arith.cmpf oeq, %select_n3A_421, %eq3A_426 : vector<1024x768xf32>
      %jit3A_428 = arith.constant -1.000000e+30 : f32
      %broadcast_in_dim3A_429 = vector.broadcast %jit3A_428 : f32 to vector<1024x768xf32>
      %select_n3A_430 = arith.select %eq3A_427, %broadcast_in_dim3A_429, %select_n3A_421 : vector<1024x768xi1>, vector<1024x768xf32>
      %reduce_max3A_431 = arith.constant dense<0xFF800000> : vector<1024xf32>
      %reduce_max3A_432 = vector.multi_reduction <maximumf>, %select_n3A_430, %reduce_max3A_431 [1] : vector<1024x768xf32> to vector<1024xf32>
      %broadcast_in_dim3A_433 = vector.shape_cast %reduce_max3A_432 : vector<1024xf32> to vector<1024x1xf32>
      %add3A_434 = arith.addf %add3A_425, %broadcast_in_dim3A_433 : vector<1024x1xf32>
      %eq3A_435 = vector.broadcast %broadcast_in_dim3A_433 : vector<1024x1xf32> to vector<1024x768xf32>
      %eq3A_436 = arith.cmpf oeq, %select_n3A_430, %eq3A_435 : vector<1024x768xf32>
      %jit3A_437 = arith.constant -1.000000e+30 : f32
      %broadcast_in_dim3A_438 = vector.broadcast %jit3A_437 : f32 to vector<1024x768xf32>
      %select_n3A_439 = arith.select %eq3A_436, %broadcast_in_dim3A_438, %select_n3A_430 : vector<1024x768xi1>, vector<1024x768xf32>
      %reduce_max3A_440 = arith.constant dense<0xFF800000> : vector<1024xf32>
      %reduce_max3A_441 = vector.multi_reduction <maximumf>, %select_n3A_439, %reduce_max3A_440 [1] : vector<1024x768xf32> to vector<1024xf32>
      %broadcast_in_dim3A_442 = vector.shape_cast %reduce_max3A_441 : vector<1024xf32> to vector<1024x1xf32>
      %add3A_443 = arith.addf %add3A_434, %broadcast_in_dim3A_442 : vector<1024x1xf32>
      %eq3A_444 = vector.broadcast %broadcast_in_dim3A_442 : vector<1024x1xf32> to vector<1024x768xf32>
      %eq3A_445 = arith.cmpf oeq, %select_n3A_439, %eq3A_444 : vector<1024x768xf32>
      %jit3A_446 = arith.constant -1.000000e+30 : f32
      %broadcast_in_dim3A_447 = vector.broadcast %jit3A_446 : f32 to vector<1024x768xf32>
      %select_n3A_448 = arith.select %eq3A_445, %broadcast_in_dim3A_447, %select_n3A_439 : vector<1024x768xi1>, vector<1024x768xf32>
      %reduce_max3A_449 = arith.constant dense<0xFF800000> : vector<1024xf32>
      %reduce_max3A_450 = vector.multi_reduction <maximumf>, %select_n3A_448, %reduce_max3A_449 [1] : vector<1024x768xf32> to vector<1024xf32>
      %broadcast_in_dim3A_451 = vector.shape_cast %reduce_max3A_450 : vector<1024xf32> to vector<1024x1xf32>
      %add3A_452 = arith.addf %add3A_443, %broadcast_in_dim3A_451 : vector<1024x1xf32>
      %eq3A_453 = vector.broadcast %broadcast_in_dim3A_451 : vector<1024x1xf32> to vector<1024x768xf32>
      %eq3A_454 = arith.cmpf oeq, %select_n3A_448, %eq3A_453 : vector<1024x768xf32>
      %jit3A_455 = arith.constant -1.000000e+30 : f32
      %broadcast_in_dim3A_456 = vector.broadcast %jit3A_455 : f32 to vector<1024x768xf32>
      %select_n3A_457 = arith.select %eq3A_454, %broadcast_in_dim3A_456, %select_n3A_448 : vector<1024x768xi1>, vector<1024x768xf32>
      %reduce_max3A_458 = arith.constant dense<0xFF800000> : vector<1024xf32>
      %reduce_max3A_459 = vector.multi_reduction <maximumf>, %select_n3A_457, %reduce_max3A_458 [1] : vector<1024x768xf32> to vector<1024xf32>
      %broadcast_in_dim3A_460 = vector.shape_cast %reduce_max3A_459 : vector<1024xf32> to vector<1024x1xf32>
      %add3A_461 = arith.addf %add3A_452, %broadcast_in_dim3A_460 : vector<1024x1xf32>
      %ge3A = arith.cmpf oge, %broadcast_in_dim3A_394, %broadcast_in_dim3A_460 : vector<1024x1xf32>
      %convert_element_type3A_462 = arith.extui %ge3A : vector<1024x1xi1> to vector<1024x1xi32>
      %convert_element_type3A_463 = arith.sitofp %convert_element_type3A_462 : vector<1024x1xi32> to vector<1024x1xf32>
      %mul3A_464 = arith.constant 2.000000e+00 : f32
      %mul3A_465 = vector.broadcast %mul3A_464 : f32 to vector<1024x1xf32>
      %mul3A_466 = arith.mulf %mul3A_465, %convert_element_type3A_463 : vector<1024x1xf32>
      %sub3A_467 = arith.constant 1.500000e+01 : f32
      %sub3A_468 = vector.broadcast %sub3A_467 : f32 to vector<1024x1xf32>
      %sub3A_469 = arith.subf %sub3A_468, %mul3A_466 : vector<1024x1xf32>
      %mul3A_470 = arith.mulf %sub3A_469, %add3A_407 : vector<1024x1xf32>
      %mul3A_471 = arith.constant 2.000000e+00 : f32
      %mul3A_472 = vector.broadcast %mul3A_471 : f32 to vector<1024x1xf32>
      %mul3A_473 = arith.mulf %mul3A_472, %add3A_461 : vector<1024x1xf32>
      %sub3A_474 = arith.subf %mul3A_470, %mul3A_473 : vector<1024x1xf32>
      %mul3A_475 = arith.constant 2.000000e+00 : f32
      %mul3A_476 = vector.broadcast %mul3A_475 : f32 to vector<1024x1xf32>
      %mul3A_477 = arith.mulf %mul3A_476, %convert_element_type3A_463 : vector<1024x1xf32>
      %sub3A_478 = arith.constant 3.000000e+00 : f32
      %sub3A_479 = vector.broadcast %sub3A_478 : f32 to vector<1024x1xf32>
      %sub3A_480 = arith.subf %sub3A_479, %mul3A_477 : vector<1024x1xf32>
      %mul3A_481 = arith.mulf %sub3A_480, %broadcast_in_dim3A_394 : vector<1024x1xf32>
      %sub3A_482 = arith.subf %sub3A_474, %mul3A_481 : vector<1024x1xf32>
      %reduce_sum3A_483 = vector.shape_cast %sub3A_482 : vector<1024x1xf32> to vector<1x1024x1xf32>
      %reduce_sum3A_484 = arith.constant dense<0.000000e+00> : vector<1xf32>
      %reduce_sum3A_485 = vector.multi_reduction <add>, %reduce_sum3A_483, %reduce_sum3A_484 [1, 2] : vector<1x1024x1xf32> to vector<1xf32>
      %reduce_sum3A_486 = vector.shape_cast %reduce_sum3A_485 : vector<1xf32> to vector<1x1x1xf32>
      %reduce_sum3A_487 = vector.extract %reduce_sum3A_486[0, 0, 0] : f32 from vector<1x1x1xf32>
      %broadcast_in_dim3A_488 = vector.broadcast %reduce_sum3A_487 : f32 to vector<1x1xf32>
      %mul3A_489 = arith.constant 6.76901545E-4 : f32
      %mul3A_490 = vector.broadcast %mul3A_489 : f32 to vector<1x1xf32>
      %mul3A_491 = arith.mulf %broadcast_in_dim3A_488, %mul3A_490 : vector<1x1xf32>
      %swap3A_492 = arith.constant 0 : index
      %swap3A_493 = arith.constant 0 : index
      %swap3A_494 = vector.load %arg4[%swap3A_492, %swap3A_493] : memref<1x1xf32, #tpu.memory_space<vmem>>, vector<1x1xf32>
      tpu.vector_store %arg4[%swap3A_492, %swap3A_493], %mul3A_491 {strides = array<i32>} : memref<1x1xf32, #tpu.memory_space<vmem>>, vector<1x1xf32>,
    } else {
    }
    return
  }
  func.func @transform_0(%arg0: i32) -> (i32, i32) {
    %c0_i32 = arith.constant 0 : i32
    %c0_i32_0 = arith.constant 0 : i32
    %c0_i32_1 = arith.constant 0 : i32
    return %c0_i32, %c0_i32_0 : i32, i32
  }
  func.func @transform_1(%arg0: i32) -> (i32, i32) {
    %c0_i32 = arith.constant 0 : i32
    %c0_i32_0 = arith.constant 0 : i32
    return %arg0, %c0_i32 : i32, i32
  }
  func.func @transform_2(%arg0: i32) -> (i32, i32) {
    %c0_i32 = arith.constant 0 : i32
    %c0_i32_0 = arith.constant 0 : i32
    %c0_i32_1 = arith.constant 0 : i32
    return %c0_i32, %c0_i32_0 : i32, i32
  }
  func.func @transform_3(%arg0: i32) -> (i32, i32) {
    %c0_i32 = arith.constant 0 : i32
    %c0_i32_0 = arith.constant 0 : i32
    %c0_i32_1 = arith.constant 0 : i32
    return %c0_i32, %c0_i32_0 : i32, i32
  }
}

</mosaic_0001>

<sc_bundles>
// kernel: _run.4.cloned.1.call-start
scs
__scs_entry_jumppad:
0x0: {  	(pc) =	sbr.rel $0x88, $3  }
0x1: {  	(tag) =	ssettag $0x0;
	lr =	simm.s32 $0x1  }
0x2: {  	[smem:$0x3F9E] =	sst lr;
	_ =	strace $0xD0000000  }
0x3: {  	_ = 	snop  }
0x4: {  	_ = 	snop  }
0x5: {  	_ = 	snop  }
0x6: {  	_ = 	snop  }
0x7: {  	_ = 	snop  }
__scs_overlays_trampoline_lowered:
0x8: {  	[smem:$0x3FAD] =	sst s0  }
0x9: {  	[smem:$0x3FAE] =	sst s1  }
0xa: {  	[smem:$0x3FAF] =	sst s2  }
0xb: {  	[smem:$0x3FB0] =	sst s3  }
0xc: {  	[smem:$0x3FB1] =	sst s4  }
0xd: {  	[smem:$0x3FB2] =	sst s5  }
0xe: {  	[smem:$0x3FB3] =	sst s6  }
0xf: {  	[smem:$0x3FB4] =	sst s7  }
0x10: {  	[smem:$0x3FB5] =	sst s8  }
0x11: {  	[smem:$0x3FB6] =	sst s9;
	s0 =	simm.s32 @!p0 $0x0  }
0x12: {  	s1 =	sld [smem:$0x3F9C];
	s0 =	simm.s32 @p0 $0x1  }
0x13: {  	[smem:$0x3FB7] =	sst s0;
	s0 =	simm.s32 @!p1 $0x0  }
0x14: {  	s2 =	sld [smem:$0x3F9B];
	s0 =	simm.s32 @p1 $0x1  }
0x15: {  	[smem:$0x3FB8] =	sst s0;
	s0 =	simm.s32 @!p2 $0x0  }
0x16: {  	s3 =	sld [smem:$0x3FDB];
	s0 =	simm.s32 @p2 $0x1  }
0x17: {  	s4 =	simm.s32 $0x1BF5;
	[smem:$0x3FBA] =	sst s0  }
0x18: {  	s0 =	sld [smem:$0x3F9D];
	_ =	swait.ge [sflag:s4], $0x0  }
0x19: {  	s7 =	sld [smem:$0x3F9E]  }
0x1a: {  	s8 =	sadd.s32 $0xFFFFE003, lr  }
0x1b: {  	s9 =	sadd.s32 $0xFFFFFEF7, lr;
	s5 =	simm.s32 $0xFFFFFFFF;
	p2 =	slt.u32 s8, $0xFFFFF086  }
0x1c: {  	p1 =	slt.u32 s9, $0xF7A;
	s5 =	simm.s32 @!p2 $0x0  }
0x1d: {  	s5 =	simm.s32 @p1 $0x1;
	p0 =	seq.s32 s7, s2  }
0x1e: {  	s7 =	smul.u32 @!p0 $0xF7A, s2;
	p2 =	seq.s32 @!p0 s5, $0x0  }
0x1f: {  	s9 =	smul.u32 $0xF7A, s1;
	s8 =	simm.s32 @!p0 $0x1BF5;
	p2 =	por !p2, p0  }
0x20: {  	[sflag:s8] =	ssyncset.s32 @!p0 $0xFFFFF086;
	s6 =	sadd.s32 @!p0 s3, s7;
	s7 =	simm.s32 @!p0 $0x108  }
0x21: {  	s3 =	sadd.s32 s3, s9;
	s6 =	sadd.s32 @!p0 $0x88, s6;
	s7 =	simm.s32 @p2 $0x1082  }
0x22: {  	[simem:s7], [sflag:s8] =	dma.local @!p0 [hbm:s6], $0xF7A  }
0x23: {  	s9 =	sor.u32 $0xD0000000, s2;
	s6 =	simm.s32 $0x108;
	_ =	swait.ge @!p0 [sflag:s8], $0x0  }
0x24: {  	s3 =	sadd.s32 $0x88, s3;
	s6 =	simm.s32 @!p1 $0x1082;
	[sflag:s4] =	ssyncset.s32 $0xFFFFF086  }
0x25: {  	[simem:s6], [sflag:s4] =	dma.local [hbm:s3], $0xF7A  }
0x26: {  	[smem:$0x3F9E] =	sst s1;
	(tag) =	ssettag s2;
	_ =	strace s9  }
0x27: {  	s1 =	sld [smem:$0x3FAE]  }
0x28: {  	s2 =	sld [smem:$0x3FAF]  }
0x29: {  	s4 =	sld [smem:$0x3FB1]  }
0x2a: {  	p0 =	seq.s32 s5, $0x0;
	s5 =	sld [smem:$0x3FB2]  }
0x2b: {  	s6 =	sld [smem:$0x3FB3]  }
0x2c: {  	s7 =	sld [smem:$0x3FB4]  }
0x2d: {  	s3 =	simm.s32 $0x108;
	s8 =	sld [smem:$0x3FB5]  }
0x2e: {  	s3 =	simm.s32 @!p0 $0x1082;
	s9 =	sld [smem:$0x3FB6]  }
0x2f: {  	lr =	sadd.s32 s0, s3;
	s0 =	sld [smem:$0x3FAD]  }
0x30: {  	s3 =	sld [smem:$0x3FB0]  }
0x31: {  	[smem:$0x3FB9] =	sst s10  }
0x32: {  	s10 =	sld [smem:$0x3FB7];
	_ =	sdelay $0x3  }
0x33: {  	p0 =	seq.s32 s10, $0x1;
	s10 =	sld [smem:$0x3FB9];
	_ =	sdelay $0x3  }
0x34: {  	[smem:$0x3FB9] =	sst s10  }
0x35: {  	s10 =	sld [smem:$0x3FB8];
	_ =	sdelay $0x3  }
0x36: {  	p1 =	seq.s32 s10, $0x1;
	s10 =	sld [smem:$0x3FB9];
	_ =	sdelay $0x3  }
0x37: {  	[smem:$0x3FB9] =	sst s10  }
0x38: {  	s10 =	sld [smem:$0x3FBA]  }
0x39: {  	_ = 	snop;
	(pc) =	sbr.ind lr, $3  }
0x3a: {  	_ = 	snop  }
0x3b: {  	_ = 	snop  }
0x3c: {  	p2 =	seq.s32 s10, $0x1;
	s10 =	sld [smem:$0x3FB9]  }
0x3d: {  	_ =	shalt  }
0x3e: {  	_ =	shalt  }
0x3f: {  	_ =	shalt  }
0x40: {  	_ =	shalt  }
0x41: {  	_ =	shalt  }
0x42: {  	_ =	shalt  }
0x43: {  	_ =	shalt  }
0x44: {  	_ =	shalt  }
0x45: {  	_ =	shalt  }
0x46: {  	_ =	shalt  }
0x47: {  	_ =	shalt  }
0x48: {  	_ =	shalt  }
0x49: {  	_ =	shalt  }
0x4a: {  	_ =	shalt  }
0x4b: {  	_ =	shalt  }
0x4c: {  	_ =	shalt  }
0x4d: {  	_ =	shalt  }
0x4e: {  	_ =	shalt  }
0x4f: {  	_ =	shalt  }
0x50: {  	_ =	shalt  }
0x51: {  	_ =	shalt  }
0x52: {  	_ =	shalt  }
0x53: {  	_ =	shalt  }
0x54: {  	_ =	shalt  }
0x55: {  	_ =	shalt  }
0x56: {  	_ =	shalt  }
0x57: {  	_ =	shalt  }
0x58: {  	_ =	shalt  }
0x59: {  	_ =	shalt  }
0x5a: {  	_ =	shalt  }
0x5b: {  	_ =	shalt  }
0x5c: {  	_ =	shalt  }
0x5d: {  	_ =	shalt  }
0x5e: {  	_ =	shalt  }
0x5f: {  	_ =	shalt  }
0x60: {  	_ =	shalt  }
0x61: {  	_ =	shalt  }
0x62: {  	_ =	shalt  }
0x63: {  	_ =	shalt  }
0x64: {  	_ =	shalt  }
0x65: {  	_ =	shalt  }
0x66: {  	_ =	shalt  }
0x67: {  	_ =	shalt  }
0x68: {  	_ =	shalt  }
0x69: {  	_ =	shalt  }
0x6a: {  	_ =	shalt  }
0x6b: {  	_ =	shalt  }
0x6c: {  	_ =	shalt  }
0x6d: {  	_ =	shalt  }
0x6e: {  	_ =	shalt  }
0x6f: {  	_ =	shalt  }
0x70: {  	_ =	shalt  }
0x71: {  	_ =	shalt  }
0x72: {  	_ =	shalt  }
0x73: {  	_ =	shalt  }
0x74: {  	_ =	shalt  }
0x75: {  	_ =	shalt  }
0x76: {  	_ =	shalt  }
0x77: {  	_ =	shalt  }
0x78: {  	_ =	shalt  }
0x79: {  	_ =	shalt  }
0x7a: {  	_ =	shalt  }
0x7b: {  	_ =	shalt  }
0x7c: {  	_ =	shalt  }
0x7d: {  	_ =	shalt  }
0x7e: {  	_ =	shalt  }
0x7f: {  	_ =	shalt  }
0x80: {  	_ =	shalt  }
0x81: {  	_ =	shalt  }
0x82: {  	_ =	shalt  }
0x83: {  	_ =	shalt  }
0x84: {  	_ =	shalt  }
0x85: {  	_ =	shalt  }
0x86: {  	_ =	shalt  }
0x87: {  	_ =	shalt  }
.Lfunc_end0:
.L_simem_size_0:
called_computation_lowered:
.L_overlay_start_0:
0x88: {  	s2 =	sld [smem:$0x3FD9]  }
0x89: {  	s3 =	sld [smem:$0x3FFE];
	_ =	sdelay $0x1  }
0x8a: {  	s1 =	srdreg.scid  }
0x8b: {  	s0 =	sand.u32 $0x1, s1  }
0x8c: {  	s17 =	sshll.u32 s0, $0xA;
	s2 =	sadd.s32 s3, s2  }
0x8d: {  	s2 =	sadd.s32 s2, s17  }
0x8e: {  	[smem:$0x3FC5] =	sst s2  }
0x8f: {  	_ = 	snop  }
0x90: {  	s2 =	sld [smem:$0x3FC8]  }
0x91: {  	s18 =	sld [smem:$0x3FC7];
	(tm) =	ssettm $0x1  }
0x92: {  	s4 =	sld [smem:$0x3FFB];
	_ =	sdelay $0x3  }
0x93: {  	_ =	strace s4  }
0x94: {  	s4 =	sld [smem:$0x3FFC];
	_ =	sdelay $0x3  }
0x95: {  	_ =	strace s4  }
0x96: {  	s4 =	sld [smem:$0x3FFD];
	_ =	sdelay $0x3  }
0x97: {  	_ =	strace s4  }
0x98: {  	_ =	strace $0x8FFFFFFF  }
0x99: {  	s19 =	sld [smem:$0x3FDB];
	_ =	sdelay $0x1  }
0x9a: {  	s5 =	simm.s32 $_scs_section_size  }
0x9b: {  	s6 =	simm.s32 $_size__tile_overlayer_lowered;
	s7 =	simm.s32 $_tile_overlayer_lowered  }
0x9c: {  	s22 =	simm.s32 $0x1BFF;
	s21 =	sshll.u32 s7, $0x1;
	s4 =	sadd.s32 s5, s19  }
0x9d: {  	s8 =	simm.s32 $0x0;
	s20 =	sshll.u32 s6, $0x1;
	s6 =	sadd.s32 s21, s4  }
0x9e: {  	[timem:s8], [sflag:s22] =	dma.local [hbm:s6], s20  }
0x9f: {  	_ =	swait.ge [sflag:s22], s20  }
0xa0: {  	s5 =	ssub.s32 $0x0, s20;
	[sflag:s22] =	ssyncset.done $0x0  }
0xa1: {  	[sflag:s22] =	ssyncadd.s32 s5;
	_ =	sdelay $0x1  }
0xa2: {  	s23 =	simm.s32 $0x1B8B  }
0xa3: {  	_ =	swait.ge [sflag:s23], $0x1  }
0xa4: {  	[sflag:s23] =	ssyncset.done $0x0  }
0xa5: {  	s25 =	simm.s32 $0x1B8E;
	s24 =	sld [smem:$0x3FFE];
	[sflag:s23] =	ssyncadd.s32 $0xFFFFFFFF  }
0xa6: {  	s26 =	simm.s32 $execute0_lowered;
	[smem:$0x3FD2] =	sst s25  }
0xa7: {  	s6 =	sshll.u32 s26, $0x1;
	_ =	strace $0x80000046;
	[dreg:$0x1] =	wrdreg $0xFFFFFFFF  }
0xa8: {  	s28 =	simm.s32 $_size_execute0_lowered;
	s4 =	sadd.s32 s4, s6;
	[dreg:$0x0] =	wrdreg $0x0  }
0xa9: {  	s6 =	sshll.u32 s28, $0x1;
	[dreg:$0x2] =	wrdreg s4  }
0xaa: {  	[dreg:$0x3] =	wrdreg s6  }
0xab: {  	[dreg:$0x4] =	wrdreg $0xC0  }
0xac: {  	_ =	task [dreg:s8], $0x5FFFF  }
0xad: {  	[dreg:$0x1] =	wrdreg $0xFFFFFFFF  }
0xae: {  	[dreg:$0x0] =	wrdreg $0x60  }
0xaf: {  	[dreg:$0x2] =	wrdreg s18  }
0xb0: {  	[dreg:$0x3] =	wrdreg s2  }
0xb1: {  	[dreg:$0x4] =	wrdreg s24  }
0xb2: {  	[dreg:$0x5] =	wrdreg $0x9  }
0xb3: {  	_ =	task.clear_ibuf [dreg:s8], $0x6FFFF;
	_ =	strace $0x90000046  }
0xb4: {  	s29 =	simm.s32 $0x9;
	_ =	strace $0x80000048  }
0xb5: {  	_ =	swait.ge [sflag:s29], $0x1  }
0xb6: {  	[sflag:s29] =	ssyncadd.s32 $0xFFFFFFFF  }
0xb7: {  	_ =	strace $0x90000048  }
0xb8: {  	_ =	sfence  }
0xb9: {  	s30 =	sld [smem:$0x0];
	_ =	sdelay $0x2  }
0xba: {  	s31 =	sshll.u32 s1, $0xD;
	s1 =	sshrl.u32 s1, $0x2  }
0xbb: {  	s3 =	sand.u32 $0x4000, s31;
	s1 =	sadd.s32 s1, s30  }
0xbc: {  	s0 =	sor.u32 s3, s0;
	s1 =	sshll.u32 s1, $0x11  }
0xbd: {  	s0 =	sor.u32 s1, s0  }
0xbe: {  	s0 =	sadd.s32 $0x8F2B, s0  }
0xbf: {  	[sflag:s0] =	ssyncadd.remote.s32 $0x1  }
0xc0: {  	_ =	sfence.sel $0xFFFF  }
0xc1: {  	[dreg:$0x0] =	wrdreg $0xFFFFFFFF;
	(pc) =	sbr.abs _section_cstart, $3  }
0xc2: {  	[dreg:$0x1] =	wrdreg $0xFFFFFFFF  }
0xc3: {  	_ =	task.clear_ibuf [dreg:s8], $0x2FFFF;
	_ =	strace $0x9FFFFFFF  }
0xc4: {  	(tm) =	ssettm $0x7FFFFFFF  }
0xc5: {  	_ =	shalt  }
tec
execute0_lowered:
.L_overlay_start_1:
0x0: {  	(tag) =	ssettag $0x1  }
0x1: {  	s1 =	rddreg [dreg:$0x0];
	s2 =	srdreg.scid  }
0x2: {  	s4 =	rddreg [dreg:$0x1];
	s0 =	stileid.u32  }
0x3: {  	s9 =	rddreg [dreg:$0x2];
	s3 =	simm.s32 $0x0;
	s6 =	sand.u32 $0x1, s2  }
0x4: {  	s5 =	sshll.u32 s0, $0x6;
	s2 =	rddreg [dreg:$0x3];
	s7 =	sshll.u32 s6, $0x5  }
0x5: {  	s8 =	simm.s32 $0x1;
	[smem:$0x7FF] =	sst s3;
	s10 =	sor.u32 s7, s5  }
0x6: {  	_ =	strace $0x80000047;
	s11 =	ssub.s32 $0x2, s6;
	s5 =	sshrl.u32 s10, $0x3  }
0x7: {  	s6 =	simm.s32 $0x20;
	s5 =	sadd.s32 s4, s5;
	s4 =	simm.s32 $0x2  }
0x8: {  	[tilespmem:s3], [sflag:$0x2] =	stream.linear.gather [hbm4b:s5+s3], $0x20, $0x38;
	[tilespmem:$0x1080] =	vst v63  }
0x9: {  	s7 =	simm.s32 $0x80;
	s12 =	sshrl.u32 s11, $0x1;
	_ =	swait.ge [sflag:s4], $0x20  }
0xa: {  	s10 =	sshll.u32 s10, $0x4;
	s31 =	ssub.s32 s11, s12;
	[sflag:s4] =	ssyncset.done $0x0  }
0xb: {  	s9 =	sadd.s32 s10, s9;
	s10 =	smax.u32 s31, $0x1;
	[sflag:s4] =	ssyncadd.s32 $0xFFFFFFE0  }
0xc: {  	[tilespmem:s7], [sflag:$0x1] =	stream.indirect.gather [hbm4b:s1+s6], $0x80, s3, s6, $0xb8;
	[tilespmem:$0x1080] =	vst v63  }
0xd: {  	p0 =	sne.s32 s10, $0x1;
	_ =	swait.ge [sflag:s8], $0x1000  }
.Ltmp0:
0xe: {  	[sflag:s8] =	ssyncset.done $0x0;
	(pc) =	sbr.rel @!p0 .LBB2_2-.Ltmp0, $4  }
0xf: {  	s9 =	sadd.s32 $0x800, s9;
	[sflag:s8] =	ssyncadd.s32 $0xFFFFF000  }
0x10: {  	[hbm4b:s9+s3] =	stream.linear.scatter [tilespmem:s7], [sflag:$0x2], $0x1000, $0x38;
	[tilespmem:$0x1080] =	vst v63  }
0x11: {  	_ =	swait.ge [sflag:s4], $0x1000  }
0x12: {  	s10 =	sadd.s32 $0xFFFFFFFF, s10;
	[sflag:s4] =	ssyncset.done $0x0  }
.LBB2_1:
0x13: {  	p0 =	sne.s32 s10, $0x1;
	s10 =	sadd.s32 $0xFFFFFFFF, s10;
	[sflag:s4] =	ssyncadd.s32 $0xFFFFF000  }
0x14: {  	[tilespmem:s3], [sflag:$0x2] =	stream.linear.gather [hbm4b:s5+s3], $0x20, $0x38;
	[tilespmem:$0x1080] =	vst v63  }
0x15: {  	_ =	swait.ge [sflag:s4], $0x20  }
0x16: {  	[sflag:s4] =	ssyncset.done $0x0  }
0x17: {  	[sflag:s4] =	ssyncadd.s32 $0xFFFFFFE0  }
0x18: {  	[tilespmem:s7], [sflag:$0x1] =	stream.indirect.gather [hbm4b:s1+s6], $0x80, s3, s6, $0xb8;
	[tilespmem:$0x1080] =	vst v63  }
0x19: {  	_ =	swait.ge [sflag:s8], $0x1000  }
.Ltmp1:
0x1a: {  	[sflag:s8] =	ssyncset.done $0x0;
	(pc) =	sbr.rel @p0 .LBB2_1-.Ltmp1, $4  }
0x1b: {  	[sflag:s8] =	ssyncadd.s32 $0xFFFFF000  }
0x1c: {  	[hbm4b:s9+s3] =	stream.linear.scatter [tilespmem:s7], [sflag:$0x2], $0x1000, $0x38;
	[tilespmem:$0x1080] =	vst v63  }
0x1d: {  	_ =	swait.ge [sflag:s4], $0x1000  }
0x1e: {  	[sflag:s4] =	ssyncset.done $0x0  }
.LBB2_2:
0x1f: {  	[sflag:s4] =	ssyncadd.s32 $0xFFFFF000  }
0x20: {  	_ =	sfence.sel $0x180000  }
0x21: {  	[bflag:$0x0] =	sbarrier.arrive $0xFFFF  }
0x22: {  	p0 =	sne.s32 s0, $0x0;
	_ =	strace $0x90000047  }
0x23: {  	s0 =	sadd.s32 @!p0 $0x100000, s2;
	[bflag:$0x2] =	sbarrier.arrive $0xFFFF  }
0x24: {  	[sflag:s0] =	ssyncadd.tile.s32 @!p0 $0x1;
	_ =	shalt  }
.Lfunc_end2:
_tile_overlayer_lowered:
.L_overlay_start_2:
0x25: {  	(tag) =	ssettag $0x2  }
0x26: {  	s0 =	rddreg [dreg:$0x0];
	s2 =	stileid.u32  }
0x27: {  	s1 =	rddreg [dreg:$0x1];
	p0 =	sne.s32 s2, $0x0  }
0x28: {  	s3 =	rddreg [dreg:$0x2];
	[bflag:$0x3] =	sbarrier.arrive $0xFFFF;
	s2 =	simm.s32 @!p0 $0x1C02  }
0x29: {  	[timem:s3], [sflag:s2] =	dma.local @!p0 [hbm:s0], s1  }
0x2a: {  	s0 =	simm.s32 @!p0 $0x2  }
0x2b: {  	_ =	swait.ge @!p0 [sflag:s0], s1  }
0x2c: {  	s1 =	ssub.s32 @!p0 $0x0, s1;
	[sflag:s0] =	ssyncset.done @!p0 $0x0  }
0x2d: {  	[sflag:s0] =	ssyncadd.s32 @!p0 s1  }
0x2e: {  	[bflag:$0x3] =	sbarrier.arrive $0xFFFF  }
0x2f: {  	_ =	shalt  }

</sc_bundles>
